<compile_context>
chip_gen: v7x
topology: tpu7x:2x2x1
jax: 0.10.2.dev20260603
libtpu: 0.0.44.dev20260713+nightly
codegen_flags: <defaults>
</compile_context>

<pallas_src>
import functools

import jax
import jax.numpy as jnp
from jax import lax
from jax.experimental import pallas as pl
from jax.experimental.pallas import tpu as pltpu
from jax.experimental.pallas import tpu_sc as plsc

_NC = 2
_NS = 16
_NW = _NC * _NS
_C = 128
_DEGW = 128
_IB = 16


def _sc_degree(dst2, *, chunks, acc_rows):
    rows_per_tile = acc_rows // _NS
    mesh = plsc.VectorSubcoreMesh(core_axis_name="c", subcore_axis_name="s")

    @functools.partial(
        pl.kernel,
        out_type=jax.ShapeDtypeStruct((_NC * acc_rows, _DEGW), jnp.float32),
        mesh=mesh,
        scratch_types=[
            pltpu.VMEM((chunks, _C), jnp.int32),
            pltpu.VMEM((_C, _DEGW), jnp.float32),
            pltpu.VMEM_SHARED((acc_rows, _DEGW), jnp.float32),
        ],
    )
    def k(dst_hbm, out_hbm, idx_v, ones_v, deg_sp):
        c = lax.axis_index("c")
        s = lax.axis_index("s")
        wid = c * _NS + s
        pltpu.sync_copy(dst_hbm.at[pl.ds(wid * chunks, chunks)], idx_v)

        def fill(i, _):
            for col in range(_DEGW // 16):
                ones_v[i, pl.ds(col * 16, 16)] = jnp.zeros((16,), jnp.float32)
            return 0

        lax.fori_loop(0, _C, fill, 0)
        for t in range(rows_per_tile // _C):
            pltpu.sync_copy(
                ones_v, deg_sp.at[pl.ds(s * rows_per_tile + t * _C, _C)])

        def fill1(i, _):
            for col in range(_DEGW // 16):
                ones_v[i, pl.ds(col * 16, 16)] = jnp.full((16,), 1.0,
                                                          jnp.float32)
            return 0

        lax.fori_loop(0, _C, fill1, 0)
        plsc.subcore_barrier()

        def chunk_body(j, _):
            pltpu.sync_copy(ones_v, deg_sp.at[idx_v.at[j]], add=True)
            return 0

        lax.fori_loop(0, chunks, chunk_body, 0)
        plsc.subcore_barrier()
        pltpu.sync_copy(
            deg_sp.at[pl.ds(s * rows_per_tile, rows_per_tile)],
            out_hbm.at[pl.ds(c * acc_rows + s * rows_per_tile, rows_per_tile)])

    return k(dst2)


def _sc_scatter_rows(src2d0, src2d1, dst2, xws2, *, chunks_sc, acc_rows,
                     feat):
    half = feat // 2
    rows_per_tile = acc_rows // _NS
    mesh = plsc.VectorSubcoreMesh(core_axis_name="c", subcore_axis_name="s")

    @functools.partial(
        pl.kernel,
        out_type=jax.ShapeDtypeStruct((_NC * acc_rows, half), jnp.float32),
        mesh=mesh,
        scratch_types=[
            pltpu.VMEM((_IB, _C), jnp.int32),
            pltpu.VMEM((_IB, _C), jnp.int32),
            pltpu.VMEM((_C, half), jnp.float32),
            pltpu.VMEM((_C, half), jnp.float32),
            pltpu.VMEM_SHARED((acc_rows, half), jnp.float32),
            pltpu.SemaphoreType.DMA,
            pltpu.SemaphoreType.DMA,
            pltpu.SemaphoreType.DMA,
            pltpu.SemaphoreType.DMA,
        ],
    )
    def k(s0_hbm, s1_hbm, dst_hbm, xws_hbm, out_hbm, sidx_v, didx_v, rb0,
          rb1, acc_sp, gsem0, gsem1, ssem0, ssem1):
        c = lax.axis_index("c")
        s = lax.axis_index("s")

        def fillz(i, _):
            for col in range(half // 16):
                rb0[i, pl.ds(col * 16, 16)] = jnp.zeros((16,), jnp.float32)
            return 0

        lax.fori_loop(0, _C, fillz, 0)
        for t in range(rows_per_tile // _C):
            pltpu.sync_copy(
                rb0, acc_sp.at[pl.ds(s * rows_per_tile + t * _C, _C)])
        plsc.subcore_barrier()

        pairs_per_blk = _IB // 2

        def drain(rb, sem):
            pltpu.make_async_copy(rb, acc_sp.at[didx_v.at[0]], sem).wait()

        def pair_body(p, _):
            @pl.when(jnp.logical_and(p % pairs_per_blk == 0, p > 0))
            def _():
                drain(rb0, ssem0)
                drain(rb1, ssem1)

            @pl.when(p % pairs_per_blk == 0)
            def _():
                base = s * chunks_sc + (p // pairs_per_blk) * _IB

                @pl.when(c == 0)
                def _():
                    pltpu.sync_copy(s0_hbm.at[pl.ds(base, _IB)], sidx_v)

                @pl.when(c != 0)
                def _():
                    pltpu.sync_copy(s1_hbm.at[pl.ds(base, _IB)], sidx_v)

                pltpu.sync_copy(dst_hbm.at[pl.ds(base, _IB)], didx_v)

            @pl.when(jnp.logical_and(p % pairs_per_blk != 0, p > 0))
            def _():
                drain(rb0, ssem0)
                drain(rb1, ssem1)

            j0 = (2 * p) % _IB
            j1 = (2 * p + 1) % _IB
            d0 = pltpu.async_copy(xws_hbm.at[sidx_v.at[j0]], rb0, gsem0)
            d1 = pltpu.async_copy(xws_hbm.at[sidx_v.at[j1]], rb1, gsem1)
            d0.wait()
            pltpu.async_copy(rb0, acc_sp.at[didx_v.at[j0]], ssem0, add=True)
            d1.wait()
            pltpu.async_copy(rb1, acc_sp.at[didx_v.at[j1]], ssem1, add=True)
            return 0

        lax.fori_loop(0, chunks_sc // 2, pair_body, 0)
        drain(rb0, ssem0)
        drain(rb1, ssem1)
        plsc.subcore_barrier()
        pltpu.sync_copy(
            acc_sp.at[pl.ds(s * rows_per_tile, rows_per_tile)],
            out_hbm.at[pl.ds(c * acc_rows + s * rows_per_tile, rows_per_tile)])

    return k(src2d0, src2d1, dst2, xws2)


def _tc_xw(x, conv_W):

    def body(x_ref, w_ref, xw_ref):
        xw_ref[...] = jnp.dot(x_ref[...], w_ref[...],
                              preferred_element_type=jnp.float32)

    return pl.pallas_call(
        body,
        out_shape=jax.ShapeDtypeStruct((x.shape[0], conv_W.shape[1]),
                                       jnp.float32),
    )(x, conv_W)


def _tc_scale(degp, xw, *, n, acc_rows):

    def body(degp_ref, xw_ref, xws_ref, dinv_ref):
        d0 = degp_ref[0:n, 0:1]
        d1 = degp_ref[acc_rows:acc_rows + n, 0:1]
        dinv = lax.rsqrt(d0 + d1 + 1.0)
        xws_ref[...] = xw_ref[...] * dinv
        dinv_ref[...] = dinv

    return pl.pallas_call(
        body,
        out_shape=[jax.ShapeDtypeStruct(xw.shape, jnp.float32),
                   jax.ShapeDtypeStruct((n, 1), jnp.float32)],
    )(degp, xw)


def _tc_dense(accp, xws, dinv2, batch2, conv_b, bn1_g, bn1_b, lin1_W, lin1_b,
              bn2_g, bn2_b, lin2_W, lin2_b, bn3_g, bn3_b, *, n, acc_rows, g):

    def body(accp_ref, xws_ref, dinv_ref, batch_ref, conv_b_ref, bn1_g_ref,
             bn1_b_ref, lin1_W_ref, lin1_b_ref, bn2_g_ref, bn2_b_ref,
             lin2_W_ref, lin2_b_ref, bn3_g_ref, bn3_b_ref, out_ref):
        acc = jnp.concatenate(
            [accp_ref[0:n, :], accp_ref[acc_rows:acc_rows + n, :]], axis=1)
        dinv = dinv_ref[...]
        h = dinv * (acc + xws_ref[...]) + conv_b_ref[...]
        m = jnp.mean(h, axis=0, keepdims=True)
        v = jnp.mean((h - m) ** 2, axis=0, keepdims=True)
        hn = (h - m) * lax.rsqrt(v + 1e-5) * bn1_g_ref[...] + bn1_b_ref[...]
        hn = jnp.maximum(hn, 0.0)
        onehot = (batch_ref[...] == lax.broadcasted_iota(
            jnp.int32, (n, g), 1)).astype(jnp.float32)
        psum = lax.dot_general(onehot, hn, (((0,), (0,)), ((), ())),
                               preferred_element_type=jnp.float32,
                               precision=lax.Precision.HIGHEST)
        cnt = lax.dot_general(onehot, jnp.ones((n, 1), jnp.float32),
                              (((0,), (0,)), ((), ())),
                              preferred_element_type=jnp.float32,
                              precision=lax.Precision.HIGHEST)
        pooled = psum / jnp.maximum(cnt, 1.0)
        z = jnp.dot(pooled, lin1_W_ref[...],
                    preferred_element_type=jnp.float32) + lin1_b_ref[...]
        m2 = jnp.mean(z, axis=0, keepdims=True)
        v2 = jnp.mean((z - m2) ** 2, axis=0, keepdims=True)
        z = (z - m2) * lax.rsqrt(v2 + 1e-5) * bn2_g_ref[...] + bn2_b_ref[...]
        z = jnp.maximum(z, 0.0)
        z2 = jnp.dot(z, lin2_W_ref[...],
                     preferred_element_type=jnp.float32) + lin2_b_ref[...]
        m3 = jnp.mean(z2, axis=0, keepdims=True)
        v3 = jnp.mean((z2 - m3) ** 2, axis=0, keepdims=True)
        out_ref[...] = ((z2 - m3) * lax.rsqrt(v3 + 1e-5) * bn3_g_ref[...]
                        + bn3_b_ref[...])

    return pl.pallas_call(
        body,
        out_shape=jax.ShapeDtypeStruct((g, lin2_W.shape[1]), jnp.float32),
    )(accp, xws, dinv2, batch2, conv_b.reshape(1, -1), bn1_g.reshape(1, -1),
      bn1_b.reshape(1, -1), lin1_W, lin1_b.reshape(1, -1),
      bn2_g.reshape(1, -1), bn2_b.reshape(1, -1), lin2_W,
      lin2_b.reshape(1, -1), bn3_g.reshape(1, -1), bn3_b.reshape(1, -1))


def kernel(x, edge_index, batch, conv_W, conv_b, bn1_g, bn1_b, lin1_W,
           lin1_b, bn2_g, bn2_b, lin2_W, lin2_b, bn3_g, bn3_b):
    n = x.shape[0]
    hid = conv_W.shape[1]
    e = edge_index.shape[1]
    g = 64

    chunks = -(-(-(-e // (_NW * _C))) // 8) * 8
    ep = _NW * chunks * _C
    acc_rows = -(-(n + 1) // (_NS * _C)) * (_NS * _C)
    src = edge_index[0]
    dst = edge_index[1]
    pad = ep - e
    srcp = jnp.concatenate([src, jnp.zeros((pad,), jnp.int32)])
    dstp = jnp.concatenate([dst, jnp.full((pad,), n, jnp.int32)])
    src2d0 = (srcp * 2).reshape(_NW * chunks, _C)
    src2d1 = (srcp * 2 + 1).reshape(_NW * chunks, _C)
    dst2 = dstp.reshape(_NW * chunks, _C)

    degp = _sc_degree(dst2, chunks=chunks, acc_rows=acc_rows)
    xw = _tc_xw(x, conv_W)
    xws, dinv2 = _tc_scale(degp, xw, n=n, acc_rows=acc_rows)
    xws2 = xws.reshape(2 * n, hid // 2)
    accp = _sc_scatter_rows(src2d0, src2d1, dst2, xws2,
                            chunks_sc=(_NW * chunks) // _NS,
                            acc_rows=acc_rows, feat=hid)
    batch2 = batch.reshape(n, 1)
    return _tc_dense(accp, xws, dinv2, batch2, conv_b, bn1_g, bn1_b, lin1_W,
                     lin1_b, bn2_g, bn2_b, lin2_W, lin2_b, bn3_g, bn3_b,
                     n=n, acc_rows=acc_rows, g=g)

# --- scband reference (transcript-rebuilt; emitter-appended) ---
"""Pipeline reference for scband-gnn-84378927497241 (READ-ONLY COPY).

The authoritative reference and input builder live on the scoring server;
editing this copy changes nothing except your own understanding.
"""

import jax, jax.numpy as jnp
import numpy as np

N = 10000
E = 320000
INP = 128
HID = 256
OUT = 64
G = 64


def setup_inputs(seed: int = 0) -> dict:
    key = jax.random.key(seed)
    ks = jax.random.split(key, 16)
    x = jax.random.normal(ks[0], (N, INP), dtype=jnp.float32)
    edge_index = jax.random.randint(ks[1], (2, E), 0, N, dtype=jnp.int32)
    batch = jnp.sort(jax.random.randint(ks[2], (N,), 0, G, dtype=jnp.int32))
    def xavier(k, shape):
        fan_in, fan_out = shape[0], shape[1]
        a = float(np.sqrt(6.0 / (fan_in + fan_out)))
        return jax.random.uniform(k, shape, jnp.float32, -a, a)
    conv_W = xavier(ks[3], (INP, HID))
    conv_b = jnp.zeros((HID,), jnp.float32)
    bn1_g = jnp.ones((HID,), jnp.float32)
    bn1_b = jnp.zeros((HID,), jnp.float32)
    lin1_W = xavier(ks[4], (HID, HID // 2))
    lin1_b = jnp.zeros((HID // 2,), jnp.float32)
    bn2_g = jnp.ones((HID // 2,), jnp.float32)
    bn2_b = jnp.zeros((HID // 2,), jnp.float32)
    lin2_W = xavier(ks[5], (HID // 2, OUT))
    lin2_b = jnp.zeros((OUT,), jnp.float32)
    bn3_g = jnp.ones((OUT,), jnp.float32)
    bn3_b = jnp.zeros((OUT,), jnp.float32)
    return {"x": x, "edge_index": edge_index, "batch": batch,
            "conv_W": conv_W, "conv_b": conv_b,
            "bn1_g": bn1_g, "bn1_b": bn1_b,
            "lin1_W": lin1_W, "lin1_b": lin1_b,
            "bn2_g": bn2_g, "bn2_b": bn2_b,
            "lin2_W": lin2_W, "lin2_b": lin2_b,
            "bn3_g": bn3_g, "bn3_b": bn3_b}


def _gcn_conv(x, edge_index, W, b):
    src = edge_index[0]
    dst = edge_index[1]
    loop = jnp.arange(N, dtype=src.dtype)
    src = jnp.concatenate([src, loop])
    dst = jnp.concatenate([dst, loop])
    deg = jnp.zeros((N,), jnp.float32).at[dst].add(1.0)
    dinv = jnp.where(deg > 0, jax.lax.rsqrt(jnp.maximum(deg, 1e-12)), 0.0)
    norm = dinv[src] * dinv[dst]
    xw = x @ W
    msg = xw[src] * norm[:, None]
    out = jnp.zeros((N, W.shape[1]), jnp.float32).at[dst].add(msg)
    return out + b


def _batchnorm(x, g, b, eps=1e-5):
    m = jnp.mean(x, axis=0)
    v = jnp.var(x, axis=0)
    return (x - m) * jax.lax.rsqrt(v + eps) * g + b


def _global_mean_pool(x, batch):
    s = jax.ops.segment_sum(x, batch, num_segments=G)
    c = jax.ops.segment_sum(jnp.ones((x.shape[0], 1), jnp.float32), batch, num_segments=G)
    return s / jnp.maximum(c, 1.0)


def reference(x, edge_index, batch, conv_W, conv_b, bn1_g, bn1_b,
              lin1_W, lin1_b, bn2_g, bn2_b, lin2_W, lin2_b, bn3_g, bn3_b):
    h = _gcn_conv(x, edge_index, conv_W, conv_b)
    h = _batchnorm(h, bn1_g, bn1_b)
    h = jax.nn.relu(h)
    # dropout p=0.5 -> identity (eval mode)
    h = _global_mean_pool(h, batch)
    h = h @ lin1_W + lin1_b
    h = _batchnorm(h, bn2_g, bn2_b)
    h = jax.nn.relu(h)
    # dropout p=0.5 -> identity (eval mode)
    h = h @ lin2_W + lin2_b
    h = _batchnorm(h, bn3_g, bn3_b)
    return h

if __name__ == "__main__":
    import jax
    _d = setup_inputs()
    print(jax.jit(kernel)(*tuple(_d.values())))

</pallas_src>

<mosaic_0001>
#map = affine_map<(d0, d1) -> (0, 0)>
module attributes {stable_mosaic.version = 14 : i64} {
  func.func @k(%arg0: i32, %arg1: i32, %arg2: memref<2560x128xi32, #tpu.memory_space<hbm>>, %arg3: memref<2560x128xi32, #tpu.memory_space<hbm>>, %arg4: memref<2560x128xi32, #tpu.memory_space<hbm>>, %arg5: memref<20000x128xf32, #tpu.memory_space<hbm>>, %arg6: memref<20480x128xf32, #tpu.memory_space<hbm>>, %arg7: memref<16x128xi32, #tpu.memory_space<vmem>>, %arg8: memref<16x128xi32, #tpu.memory_space<vmem>>, %arg9: memref<128x128xf32, #tpu.memory_space<vmem>>, %arg10: memref<128x128xf32, #tpu.memory_space<vmem>>, %arg11: memref<10240x128xf32, #tpu.memory_space<vmem_shared>>, %arg12: memref<!tpu.dma_semaphore, #tpu.memory_space<semaphore_mem>>, %arg13: memref<!tpu.dma_semaphore, #tpu.memory_space<semaphore_mem>>, %arg14: memref<!tpu.dma_semaphore, #tpu.memory_space<semaphore_mem>>, %arg15: memref<!tpu.dma_semaphore, #tpu.memory_space<semaphore_mem>>) attributes {dimension_semantics = [#tpu.dimension_semantics<core_parallel>, #tpu.dimension_semantics<subcore_parallel>], iteration_bounds = array<i64: 2, 16>, scalar_prefetch = 0 : i64, scratch_operands = 9 : i64, tpu.core_type = #tpu.core_type<sc_vector_subcore>, window_params = [{transform_indices = #map}, {transform_indices = #map}, {transform_indices = #map}, {transform_indices = #map}, {transform_indices = #map}]} {
    %scan3A = arith.constant 0 : i32
    %scan3A_0 = arith.constant 0 : i32
    %scan3A_1 = arith.constant 128 : i32
    %scan3A_2 = arith.addi %scan3A_0, %scan3A_1 : i32
    %scan3A_3 = arith.constant 1 : i32
    %scan3A_4 = scf.for %scan3A_52 = %scan3A_0 to %scan3A_2 step %scan3A_3 iter_args(%scan3A_53 = %scan3A) -> (i32)  : i32 {
      %broadcast_in_dim3A = arith.constant 0.000000e+00 : f32
      %broadcast_in_dim3A_54 = vector.broadcast %broadcast_in_dim3A : f32 to vector<16xf32>
      %swap3A = arith.index_cast %scan3A_52 : i32 to index
      %swap3A_55 = arith.constant 0 : index
      %swap3A_56 = tpu.vector_load %arg9[%swap3A, %swap3A_55] {strides = array<i32>} : memref<128x128xf32, #tpu.memory_space<vmem>>, vector<1x16xf32>,
      %swap3A_57 = vector.shape_cast %swap3A_56 : vector<1x16xf32> to vector<16xf32>
      %swap3A_58 = vector.shape_cast %broadcast_in_dim3A_54 : vector<16xf32> to vector<1x16xf32>
      tpu.vector_store %arg9[%swap3A, %swap3A_55], %swap3A_58 {strides = array<i32>} : memref<128x128xf32, #tpu.memory_space<vmem>>, vector<1x16xf32>,
      %broadcast_in_dim3A_59 = arith.constant 0.000000e+00 : f32
      %broadcast_in_dim3A_60 = vector.broadcast %broadcast_in_dim3A_59 : f32 to vector<16xf32>
      %swap3A_61 = arith.index_cast %scan3A_52 : i32 to index
      %swap3A_62 = arith.constant 16 : index
      %swap3A_63 = tpu.vector_load %arg9[%swap3A_61, %swap3A_62] {strides = array<i32>} : memref<128x128xf32, #tpu.memory_space<vmem>>, vector<1x16xf32>,
      %swap3A_64 = vector.shape_cast %swap3A_63 : vector<1x16xf32> to vector<16xf32>
      %swap3A_65 = vector.shape_cast %broadcast_in_dim3A_60 : vector<16xf32> to vector<1x16xf32>
      tpu.vector_store %arg9[%swap3A_61, %swap3A_62], %swap3A_65 {strides = array<i32>} : memref<128x128xf32, #tpu.memory_space<vmem>>, vector<1x16xf32>,
      %broadcast_in_dim3A_66 = arith.constant 0.000000e+00 : f32
      %broadcast_in_dim3A_67 = vector.broadcast %broadcast_in_dim3A_66 : f32 to vector<16xf32>
      %swap3A_68 = arith.index_cast %scan3A_52 : i32 to index
      %swap3A_69 = arith.constant 32 : index
      %swap3A_70 = tpu.vector_load %arg9[%swap3A_68, %swap3A_69] {strides = array<i32>} : memref<128x128xf32, #tpu.memory_space<vmem>>, vector<1x16xf32>,
      %swap3A_71 = vector.shape_cast %swap3A_70 : vector<1x16xf32> to vector<16xf32>
      %swap3A_72 = vector.shape_cast %broadcast_in_dim3A_67 : vector<16xf32> to vector<1x16xf32>
      tpu.vector_store %arg9[%swap3A_68, %swap3A_69], %swap3A_72 {strides = array<i32>} : memref<128x128xf32, #tpu.memory_space<vmem>>, vector<1x16xf32>,
      %broadcast_in_dim3A_73 = arith.constant 0.000000e+00 : f32
      %broadcast_in_dim3A_74 = vector.broadcast %broadcast_in_dim3A_73 : f32 to vector<16xf32>
      %swap3A_75 = arith.index_cast %scan3A_52 : i32 to index
      %swap3A_76 = arith.constant 48 : index
      %swap3A_77 = tpu.vector_load %arg9[%swap3A_75, %swap3A_76] {strides = array<i32>} : memref<128x128xf32, #tpu.memory_space<vmem>>, vector<1x16xf32>,
      %swap3A_78 = vector.shape_cast %swap3A_77 : vector<1x16xf32> to vector<16xf32>
      %swap3A_79 = vector.shape_cast %broadcast_in_dim3A_74 : vector<16xf32> to vector<1x16xf32>
      tpu.vector_store %arg9[%swap3A_75, %swap3A_76], %swap3A_79 {strides = array<i32>} : memref<128x128xf32, #tpu.memory_space<vmem>>, vector<1x16xf32>,
      %broadcast_in_dim3A_80 = arith.constant 0.000000e+00 : f32
      %broadcast_in_dim3A_81 = vector.broadcast %broadcast_in_dim3A_80 : f32 to vector<16xf32>
      %swap3A_82 = arith.index_cast %scan3A_52 : i32 to index
      %swap3A_83 = arith.constant 64 : index
      %swap3A_84 = tpu.vector_load %arg9[%swap3A_82, %swap3A_83] {strides = array<i32>} : memref<128x128xf32, #tpu.memory_space<vmem>>, vector<1x16xf32>,
      %swap3A_85 = vector.shape_cast %swap3A_84 : vector<1x16xf32> to vector<16xf32>
      %swap3A_86 = vector.shape_cast %broadcast_in_dim3A_81 : vector<16xf32> to vector<1x16xf32>
      tpu.vector_store %arg9[%swap3A_82, %swap3A_83], %swap3A_86 {strides = array<i32>} : memref<128x128xf32, #tpu.memory_space<vmem>>, vector<1x16xf32>,
      %broadcast_in_dim3A_87 = arith.constant 0.000000e+00 : f32
      %broadcast_in_dim3A_88 = vector.broadcast %broadcast_in_dim3A_87 : f32 to vector<16xf32>
      %swap3A_89 = arith.index_cast %scan3A_52 : i32 to index
      %swap3A_90 = arith.constant 80 : index
      %swap3A_91 = tpu.vector_load %arg9[%swap3A_89, %swap3A_90] {strides = array<i32>} : memref<128x128xf32, #tpu.memory_space<vmem>>, vector<1x16xf32>,
      %swap3A_92 = vector.shape_cast %swap3A_91 : vector<1x16xf32> to vector<16xf32>
      %swap3A_93 = vector.shape_cast %broadcast_in_dim3A_88 : vector<16xf32> to vector<1x16xf32>
      tpu.vector_store %arg9[%swap3A_89, %swap3A_90], %swap3A_93 {strides = array<i32>} : memref<128x128xf32, #tpu.memory_space<vmem>>, vector<1x16xf32>,
      %broadcast_in_dim3A_94 = arith.constant 0.000000e+00 : f32
      %broadcast_in_dim3A_95 = vector.broadcast %broadcast_in_dim3A_94 : f32 to vector<16xf32>
      %swap3A_96 = arith.index_cast %scan3A_52 : i32 to index
      %swap3A_97 = arith.constant 96 : index
      %swap3A_98 = tpu.vector_load %arg9[%swap3A_96, %swap3A_97] {strides = array<i32>} : memref<128x128xf32, #tpu.memory_space<vmem>>, vector<1x16xf32>,
      %swap3A_99 = vector.shape_cast %swap3A_98 : vector<1x16xf32> to vector<16xf32>
      %swap3A_100 = vector.shape_cast %broadcast_in_dim3A_95 : vector<16xf32> to vector<1x16xf32>
      tpu.vector_store %arg9[%swap3A_96, %swap3A_97], %swap3A_100 {strides = array<i32>} : memref<128x128xf32, #tpu.memory_space<vmem>>, vector<1x16xf32>,
      %broadcast_in_dim3A_101 = arith.constant 0.000000e+00 : f32
      %broadcast_in_dim3A_102 = vector.broadcast %broadcast_in_dim3A_101 : f32 to vector<16xf32>
      %swap3A_103 = arith.index_cast %scan3A_52 : i32 to index
      %swap3A_104 = arith.constant 112 : index
      %swap3A_105 = tpu.vector_load %arg9[%swap3A_103, %swap3A_104] {strides = array<i32>} : memref<128x128xf32, #tpu.memory_space<vmem>>, vector<1x16xf32>,
      %swap3A_106 = vector.shape_cast %swap3A_105 : vector<1x16xf32> to vector<16xf32>
      %swap3A_107 = vector.shape_cast %broadcast_in_dim3A_102 : vector<16xf32> to vector<1x16xf32>
      tpu.vector_store %arg9[%swap3A_103, %swap3A_104], %swap3A_107 {strides = array<i32>} : memref<128x128xf32, #tpu.memory_space<vmem>>, vector<1x16xf32>,
      %scan3A_108 = arith.constant 0 : i32
      scf.yield %scan3A_108 : i32
    }
    %scan3A_5 = arith.constant 128 : i32
    %mul3A = arith.constant 640 : i32
    %mul3A_6 = arith.muli %arg1, %mul3A : i32
    %add3A = arith.constant 0 : i32
    %add3A_7 = arith.addi %mul3A_6, %add3A : i32
    "tpu.region"() ({
      %run_scoped3A = tpu.sem_alloc : memref<!tpu.dma_semaphore, #tpu.memory_space<semaphore_mem>>
      %dma_start3A = arith.constant 0 : i32
      %dma_start3A_52 = tpu.memref_slice %arg11[%add3A_7, %dma_start3A] : memref<10240x128xf32, #tpu.memory_space<vmem_shared>> -> memref<128x128xf32, #tpu.memory_space<vmem_shared>>
      %dma_start3A_53 = arith.constant 0 : i32
      %dma_start3A_54 = tpu.memref_slice %arg11[%add3A_7, %dma_start3A_53] : memref<10240x128xf32, #tpu.memory_space<vmem_shared>> -> memref<128x128xf32, #tpu.memory_space<vmem_shared>>
      tpu.enqueue_dma source(%arg9 : memref<128x128xf32, #tpu.memory_space<vmem>>) target(%dma_start3A_54 : memref<128x128xf32, #tpu.memory_space<vmem_shared>>) target_semaphore(%run_scoped3A : memref<!tpu.dma_semaphore, #tpu.memory_space<semaphore_mem>>)
      %dma_wait3A_55 = arith.constant 0 : i32
      %dma_wait3A_56 = tpu.memref_slice %arg11[%add3A_7, %dma_wait3A_55] : memref<10240x128xf32, #tpu.memory_space<vmem_shared>> -> memref<128x128xf32, #tpu.memory_space<vmem_shared>>
      %dma_wait3A_57 = arith.constant 0 : i32
      %dma_wait3A_58 = tpu.memref_slice %arg11[%add3A_7, %dma_wait3A_57] : memref<10240x128xf32, #tpu.memory_space<vmem_shared>> -> memref<128x128xf32, #tpu.memory_space<vmem_shared>>
      tpu.wait_dma2 semaphore(%run_scoped3A : memref<!tpu.dma_semaphore, #tpu.memory_space<semaphore_mem>>) src(%arg9 : memref<128x128xf32, #tpu.memory_space<vmem>>) dst(%dma_wait3A_58 : memref<128x128xf32, #tpu.memory_space<vmem_shared>>)
      tpu.yield
    }) : () -> ()
    %mul3A_8 = arith.constant 640 : i32
    %mul3A_9 = arith.muli %arg1, %mul3A_8 : i32
    %add3A_10 = arith.constant 128 : i32
    %add3A_11 = arith.addi %mul3A_9, %add3A_10 : i32
    "tpu.region"() ({
      %run_scoped3A = tpu.sem_alloc : memref<!tpu.dma_semaphore, #tpu.memory_space<semaphore_mem>>
      %dma_start3A = arith.constant 0 : i32
      %dma_start3A_52 = tpu.memref_slice %arg11[%add3A_11, %dma_start3A] : memref<10240x128xf32, #tpu.memory_space<vmem_shared>> -> memref<128x128xf32, #tpu.memory_space<vmem_shared>>
      %dma_start3A_53 = arith.constant 0 : i32
      %dma_start3A_54 = tpu.memref_slice %arg11[%add3A_11, %dma_start3A_53] : memref<10240x128xf32, #tpu.memory_space<vmem_shared>> -> memref<128x128xf32, #tpu.memory_space<vmem_shared>>
      tpu.enqueue_dma source(%arg9 : memref<128x128xf32, #tpu.memory_space<vmem>>) target(%dma_start3A_54 : memref<128x128xf32, #tpu.memory_space<vmem_shared>>) target_semaphore(%run_scoped3A : memref<!tpu.dma_semaphore, #tpu.memory_space<semaphore_mem>>)
      %dma_wait3A_55 = arith.constant 0 : i32
      %dma_wait3A_56 = tpu.memref_slice %arg11[%add3A_11, %dma_wait3A_55] : memref<10240x128xf32, #tpu.memory_space<vmem_shared>> -> memref<128x128xf32, #tpu.memory_space<vmem_shared>>
      %dma_wait3A_57 = arith.constant 0 : i32
      %dma_wait3A_58 = tpu.memref_slice %arg11[%add3A_11, %dma_wait3A_57] : memref<10240x128xf32, #tpu.memory_space<vmem_shared>> -> memref<128x128xf32, #tpu.memory_space<vmem_shared>>
      tpu.wait_dma2 semaphore(%run_scoped3A : memref<!tpu.dma_semaphore, #tpu.memory_space<semaphore_mem>>) src(%arg9 : memref<128x128xf32, #tpu.memory_space<vmem>>) dst(%dma_wait3A_58 : memref<128x128xf32, #tpu.memory_space<vmem_shared>>)
      tpu.yield
    }) : () -> ()
    %mul3A_12 = arith.constant 640 : i32
    %mul3A_13 = arith.muli %arg1, %mul3A_12 : i32
    %add3A_14 = arith.constant 256 : i32
    %add3A_15 = arith.addi %mul3A_13, %add3A_14 : i32
    "tpu.region"() ({
      %run_scoped3A = tpu.sem_alloc : memref<!tpu.dma_semaphore, #tpu.memory_space<semaphore_mem>>
      %dma_start3A = arith.constant 0 : i32
      %dma_start3A_52 = tpu.memref_slice %arg11[%add3A_15, %dma_start3A] : memref<10240x128xf32, #tpu.memory_space<vmem_shared>> -> memref<128x128xf32, #tpu.memory_space<vmem_shared>>
      %dma_start3A_53 = arith.constant 0 : i32
      %dma_start3A_54 = tpu.memref_slice %arg11[%add3A_15, %dma_start3A_53] : memref<10240x128xf32, #tpu.memory_space<vmem_shared>> -> memref<128x128xf32, #tpu.memory_space<vmem_shared>>
      tpu.enqueue_dma source(%arg9 : memref<128x128xf32, #tpu.memory_space<vmem>>) target(%dma_start3A_54 : memref<128x128xf32, #tpu.memory_space<vmem_shared>>) target_semaphore(%run_scoped3A : memref<!tpu.dma_semaphore, #tpu.memory_space<semaphore_mem>>)
      %dma_wait3A_55 = arith.constant 0 : i32
      %dma_wait3A_56 = tpu.memref_slice %arg11[%add3A_15, %dma_wait3A_55] : memref<10240x128xf32, #tpu.memory_space<vmem_shared>> -> memref<128x128xf32, #tpu.memory_space<vmem_shared>>
      %dma_wait3A_57 = arith.constant 0 : i32
      %dma_wait3A_58 = tpu.memref_slice %arg11[%add3A_15, %dma_wait3A_57] : memref<10240x128xf32, #tpu.memory_space<vmem_shared>> -> memref<128x128xf32, #tpu.memory_space<vmem_shared>>
      tpu.wait_dma2 semaphore(%run_scoped3A : memref<!tpu.dma_semaphore, #tpu.memory_space<semaphore_mem>>) src(%arg9 : memref<128x128xf32, #tpu.memory_space<vmem>>) dst(%dma_wait3A_58 : memref<128x128xf32, #tpu.memory_space<vmem_shared>>)
      tpu.yield
    }) : () -> ()
    %mul3A_16 = arith.constant 640 : i32
    %mul3A_17 = arith.muli %arg1, %mul3A_16 : i32
    %add3A_18 = arith.constant 384 : i32
    %add3A_19 = arith.addi %mul3A_17, %add3A_18 : i32
    "tpu.region"() ({
      %run_scoped3A = tpu.sem_alloc : memref<!tpu.dma_semaphore, #tpu.memory_space<semaphore_mem>>
      %dma_start3A = arith.constant 0 : i32
      %dma_start3A_52 = tpu.memref_slice %arg11[%add3A_19, %dma_start3A] : memref<10240x128xf32, #tpu.memory_space<vmem_shared>> -> memref<128x128xf32, #tpu.memory_space<vmem_shared>>
      %dma_start3A_53 = arith.constant 0 : i32
      %dma_start3A_54 = tpu.memref_slice %arg11[%add3A_19, %dma_start3A_53] : memref<10240x128xf32, #tpu.memory_space<vmem_shared>> -> memref<128x128xf32, #tpu.memory_space<vmem_shared>>
      tpu.enqueue_dma source(%arg9 : memref<128x128xf32, #tpu.memory_space<vmem>>) target(%dma_start3A_54 : memref<128x128xf32, #tpu.memory_space<vmem_shared>>) target_semaphore(%run_scoped3A : memref<!tpu.dma_semaphore, #tpu.memory_space<semaphore_mem>>)
      %dma_wait3A_55 = arith.constant 0 : i32
      %dma_wait3A_56 = tpu.memref_slice %arg11[%add3A_19, %dma_wait3A_55] : memref<10240x128xf32, #tpu.memory_space<vmem_shared>> -> memref<128x128xf32, #tpu.memory_space<vmem_shared>>
      %dma_wait3A_57 = arith.constant 0 : i32
      %dma_wait3A_58 = tpu.memref_slice %arg11[%add3A_19, %dma_wait3A_57] : memref<10240x128xf32, #tpu.memory_space<vmem_shared>> -> memref<128x128xf32, #tpu.memory_space<vmem_shared>>
      tpu.wait_dma2 semaphore(%run_scoped3A : memref<!tpu.dma_semaphore, #tpu.memory_space<semaphore_mem>>) src(%arg9 : memref<128x128xf32, #tpu.memory_space<vmem>>) dst(%dma_wait3A_58 : memref<128x128xf32, #tpu.memory_space<vmem_shared>>)
      tpu.yield
    }) : () -> ()
    %mul3A_20 = arith.constant 640 : i32
    %mul3A_21 = arith.muli %arg1, %mul3A_20 : i32
    %add3A_22 = arith.constant 512 : i32
    %add3A_23 = arith.addi %mul3A_21, %add3A_22 : i32
    "tpu.region"() ({
      %run_scoped3A = tpu.sem_alloc : memref<!tpu.dma_semaphore, #tpu.memory_space<semaphore_mem>>
      %dma_start3A = arith.constant 0 : i32
      %dma_start3A_52 = tpu.memref_slice %arg11[%add3A_23, %dma_start3A] : memref<10240x128xf32, #tpu.memory_space<vmem_shared>> -> memref<128x128xf32, #tpu.memory_space<vmem_shared>>
      %dma_start3A_53 = arith.constant 0 : i32
      %dma_start3A_54 = tpu.memref_slice %arg11[%add3A_23, %dma_start3A_53] : memref<10240x128xf32, #tpu.memory_space<vmem_shared>> -> memref<128x128xf32, #tpu.memory_space<vmem_shared>>
      tpu.enqueue_dma source(%arg9 : memref<128x128xf32, #tpu.memory_space<vmem>>) target(%dma_start3A_54 : memref<128x128xf32, #tpu.memory_space<vmem_shared>>) target_semaphore(%run_scoped3A : memref<!tpu.dma_semaphore, #tpu.memory_space<semaphore_mem>>)
      %dma_wait3A_55 = arith.constant 0 : i32
      %dma_wait3A_56 = tpu.memref_slice %arg11[%add3A_23, %dma_wait3A_55] : memref<10240x128xf32, #tpu.memory_space<vmem_shared>> -> memref<128x128xf32, #tpu.memory_space<vmem_shared>>
      %dma_wait3A_57 = arith.constant 0 : i32
      %dma_wait3A_58 = tpu.memref_slice %arg11[%add3A_23, %dma_wait3A_57] : memref<10240x128xf32, #tpu.memory_space<vmem_shared>> -> memref<128x128xf32, #tpu.memory_space<vmem_shared>>
      tpu.wait_dma2 semaphore(%run_scoped3A : memref<!tpu.dma_semaphore, #tpu.memory_space<semaphore_mem>>) src(%arg9 : memref<128x128xf32, #tpu.memory_space<vmem>>) dst(%dma_wait3A_58 : memref<128x128xf32, #tpu.memory_space<vmem_shared>>)
      tpu.yield
    }) : () -> ()
    %barrier3A = arith.constant 0 : index
    tpu.barrier barrier_id(%barrier3A)
    %scan3A_24 = arith.constant 0 : i32
    %scan3A_25 = arith.constant 0 : i32
    %scan3A_26 = arith.constant 80 : i32
    %scan3A_27 = arith.addi %scan3A_25, %scan3A_26 : i32
    %scan3A_28 = arith.constant 1 : i32
    %scan3A_29 = scf.for %scan3A_52 = %scan3A_25 to %scan3A_27 step %scan3A_28 iter_args(%scan3A_53 = %scan3A_24) -> (i32)  : i32 {
      %jit3A = arith.constant 8 : i32
      %eq3A = arith.constant 0 : i32
      %eq3A_54 = arith.cmpi eq, %jit3A, %eq3A : i32
      %jit3A_55 = arith.constant 1 : i32
      %select_n3A = arith.select %eq3A_54, %jit3A_55, %jit3A : i32
      %rem3A = arith.remsi %scan3A_52, %select_n3A : i32
      %ne3A = arith.constant 0 : i32
      %ne3A_56 = arith.cmpi ne, %rem3A, %ne3A : i32
      %lt3A = arith.constant 0 : i32
      %lt3A_57 = arith.cmpi slt, %rem3A, %lt3A : i32
      %lt3A_58 = arith.constant 0 : i32
      %lt3A_59 = arith.cmpi slt, %select_n3A, %lt3A_58 : i32
      %ne3A_60 = arith.xori %lt3A_57, %lt3A_59 : i1
      %and3A = arith.andi %ne3A_60, %ne3A_56 : i1
      %add3A_61 = arith.addi %rem3A, %select_n3A : i32
      %select_n3A_62 = arith.select %and3A, %add3A_61, %rem3A : i32
      %eq3A_63 = arith.constant 0 : i32
      %eq3A_64 = arith.cmpi eq, %select_n3A_62, %eq3A_63 : i32
      %gt3A = arith.constant 0 : i32
      %gt3A_65 = arith.cmpi sgt, %scan3A_52, %gt3A : i32
      %and3A_66 = arith.andi %eq3A_64, %gt3A_65 : i1
      %convert_element_type3A = arith.extui %and3A_66 : i1 to i32
      %cond3A = arith.constant 0 : i32
      %cond3A_67 = arith.cmpi ne, %convert_element_type3A, %cond3A : i32
      scf.if %cond3A_67 {
        %dma_wait3A_187 = arith.constant 0 : i32
        %dma_wait3A_188 = arith.constant 0 : i32
        %dma_wait3A_189 = tpu.memref_slice %arg8[%dma_wait3A_187, %dma_wait3A_188] : memref<16x128xi32, #tpu.memory_space<vmem>> -> memref<1x128xi32, #tpu.memory_space<vmem>>
        %dma_wait3A_190 = tpu.memref_squeeze %dma_wait3A_189 : memref<1x128xi32, #tpu.memory_space<vmem>> -> memref<128xi32, #tpu.memory_space<vmem>>
        %dma_wait3A_191 = arith.constant 0 : i32
        %dma_wait3A_192 = arith.constant 0 : i32
        %dma_wait3A_193 = tpu.memref_slice %arg11[%dma_wait3A_191, %dma_wait3A_192] : memref<10240x128xf32, #tpu.memory_space<vmem_shared>> -> memref<10240x128xf32, #tpu.memory_space<vmem_shared>>
        tpu.wait_indirect_dma semaphore(%arg14 : memref<!tpu.dma_semaphore, #tpu.memory_space<semaphore_mem>>) src(%arg9 : memref<128x128xf32, #tpu.memory_space<vmem>>) dst(%dma_wait3A_193 : memref<10240x128xf32, #tpu.memory_space<vmem_shared>>)
        %dma_wait3A_194 = arith.constant 0 : i32
        %dma_wait3A_195 = arith.constant 0 : i32
        %dma_wait3A_196 = tpu.memref_slice %arg8[%dma_wait3A_194, %dma_wait3A_195] : memref<16x128xi32, #tpu.memory_space<vmem>> -> memref<1x128xi32, #tpu.memory_space<vmem>>
        %dma_wait3A_197 = tpu.memref_squeeze %dma_wait3A_196 : memref<1x128xi32, #tpu.memory_space<vmem>> -> memref<128xi32, #tpu.memory_space<vmem>>
        %dma_wait3A_198 = arith.constant 0 : i32
        %dma_wait3A_199 = arith.constant 0 : i32
        %dma_wait3A_200 = tpu.memref_slice %arg11[%dma_wait3A_198, %dma_wait3A_199] : memref<10240x128xf32, #tpu.memory_space<vmem_shared>> -> memref<10240x128xf32, #tpu.memory_space<vmem_shared>>
        tpu.wait_indirect_dma semaphore(%arg15 : memref<!tpu.dma_semaphore, #tpu.memory_space<semaphore_mem>>) src(%arg10 : memref<128x128xf32, #tpu.memory_space<vmem>>) dst(%dma_wait3A_200 : memref<10240x128xf32, #tpu.memory_space<vmem_shared>>)
      } else {
      }
      %jit3A_68 = arith.constant 8 : i32
      %eq3A_69 = arith.constant 0 : i32
      %eq3A_70 = arith.cmpi eq, %jit3A_68, %eq3A_69 : i32
      %jit3A_71 = arith.constant 1 : i32
      %select_n3A_72 = arith.select %eq3A_70, %jit3A_71, %jit3A_68 : i32
      %rem3A_73 = arith.remsi %scan3A_52, %select_n3A_72 : i32
      %ne3A_74 = arith.constant 0 : i32
      %ne3A_75 = arith.cmpi ne, %rem3A_73, %ne3A_74 : i32
      %lt3A_76 = arith.constant 0 : i32
      %lt3A_77 = arith.cmpi slt, %rem3A_73, %lt3A_76 : i32
      %lt3A_78 = arith.constant 0 : i32
      %lt3A_79 = arith.cmpi slt, %select_n3A_72, %lt3A_78 : i32
      %ne3A_80 = arith.xori %lt3A_77, %lt3A_79 : i1
      %and3A_81 = arith.andi %ne3A_80, %ne3A_75 : i1
      %add3A_82 = arith.addi %rem3A_73, %select_n3A_72 : i32
      %select_n3A_83 = arith.select %and3A_81, %add3A_82, %rem3A_73 : i32
      %eq3A_84 = arith.constant 0 : i32
      %eq3A_85 = arith.cmpi eq, %select_n3A_83, %eq3A_84 : i32
      %convert_element_type3A_86 = arith.extui %eq3A_85 : i1 to i32
      %cond3A_87 = arith.constant 0 : i32
      %cond3A_88 = arith.cmpi ne, %convert_element_type3A_86, %cond3A_87 : i32
      scf.if %cond3A_88 {
        %mul3A_187 = arith.constant 160 : i32
        %mul3A_188 = arith.muli %arg1, %mul3A_187 : i32
        %jit3A_189 = arith.constant 8 : i32
        %div3A = arith.divsi %scan3A_52, %jit3A_189 : i32
        %sign3A = arith.constant 0 : i32
        %sign3A_190 = arith.cmpi sgt, %scan3A_52, %sign3A : i32
        %sign3A_191 = arith.extui %sign3A_190 : i1 to i32
        %sign3A_192 = arith.constant 0 : i32
        %sign3A_193 = arith.cmpi slt, %scan3A_52, %sign3A_192 : i32
        %sign3A_194 = arith.extui %sign3A_193 : i1 to i32
        %sign3A_195 = arith.subi %sign3A_191, %sign3A_194 : i32
        %sign3A_196 = arith.constant 0 : i32
        %sign3A_197 = arith.cmpi sgt, %jit3A_189, %sign3A_196 : i32
        %sign3A_198 = arith.extui %sign3A_197 : i1 to i32
        %sign3A_199 = arith.constant 0 : i32
        %sign3A_200 = arith.cmpi slt, %jit3A_189, %sign3A_199 : i32
        %sign3A_201 = arith.extui %sign3A_200 : i1 to i32
        %sign3A_202 = arith.subi %sign3A_198, %sign3A_201 : i32
        %ne3A_203 = arith.cmpi ne, %sign3A_195, %sign3A_202 : i32
        %rem3A_204 = arith.remsi %scan3A_52, %jit3A_189 : i32
        %ne3A_205 = arith.constant 0 : i32
        %ne3A_206 = arith.cmpi ne, %rem3A_204, %ne3A_205 : i32
        %and3A_207 = arith.andi %ne3A_203, %ne3A_206 : i1
        %sub3A = arith.constant 1 : i32
        %sub3A_208 = arith.subi %div3A, %sub3A : i32
        %select_n3A_209 = arith.select %and3A_207, %sub3A_208, %div3A : i32
        %mul3A_210 = arith.constant 16 : i32
        %mul3A_211 = arith.muli %select_n3A_209, %mul3A_210 : i32
        %add3A_212 = arith.addi %mul3A_188, %mul3A_211 : i32
        %eq3A_213 = arith.constant 0 : i32
        %eq3A_214 = arith.cmpi eq, %arg0, %eq3A_213 : i32
        %convert_element_type3A_215 = arith.extui %eq3A_214 : i1 to i32
        %cond3A_216 = arith.constant 0 : i32
        %cond3A_217 = arith.cmpi ne, %convert_element_type3A_215, %cond3A_216 : i32
        scf.if %cond3A_217 {
          "tpu.region"() ({
            %run_scoped3A = tpu.sem_alloc : memref<!tpu.dma_semaphore, #tpu.memory_space<semaphore_mem>>
            %dma_start3A_223 = arith.constant 0 : i32
            %dma_start3A_224 = tpu.memref_slice %arg2[%add3A_212, %dma_start3A_223] : memref<2560x128xi32, #tpu.memory_space<hbm>> -> memref<16x128xi32, #tpu.memory_space<hbm>>
            %dma_start3A_225 = arith.constant 0 : i32
            %dma_start3A_226 = tpu.memref_slice %arg2[%add3A_212, %dma_start3A_225] : memref<2560x128xi32, #tpu.memory_space<hbm>> -> memref<16x128xi32, #tpu.memory_space<hbm>>
            tpu.enqueue_dma source(%dma_start3A_226 : memref<16x128xi32, #tpu.memory_space<hbm>>) target(%arg7 : memref<16x128xi32, #tpu.memory_space<vmem>>) target_semaphore(%run_scoped3A : memref<!tpu.dma_semaphore, #tpu.memory_space<semaphore_mem>>)
            %dma_wait3A_227 = arith.constant 0 : i32
            %dma_wait3A_228 = tpu.memref_slice %arg2[%add3A_212, %dma_wait3A_227] : memref<2560x128xi32, #tpu.memory_space<hbm>> -> memref<16x128xi32, #tpu.memory_space<hbm>>
            %dma_wait3A_229 = arith.constant 0 : i32
            %dma_wait3A_230 = tpu.memref_slice %arg2[%add3A_212, %dma_wait3A_229] : memref<2560x128xi32, #tpu.memory_space<hbm>> -> memref<16x128xi32, #tpu.memory_space<hbm>>
            tpu.wait_dma2 semaphore(%run_scoped3A : memref<!tpu.dma_semaphore, #tpu.memory_space<semaphore_mem>>) src(%dma_wait3A_230 : memref<16x128xi32, #tpu.memory_space<hbm>>) dst(%arg7 : memref<16x128xi32, #tpu.memory_space<vmem>>)
            tpu.yield
          }) : () -> ()
        } else {
        }
        %ne3A_218 = arith.constant 0 : i32
        %ne3A_219 = arith.cmpi ne, %arg0, %ne3A_218 : i32
        %convert_element_type3A_220 = arith.extui %ne3A_219 : i1 to i32
        %cond3A_221 = arith.constant 0 : i32
        %cond3A_222 = arith.cmpi ne, %convert_element_type3A_220, %cond3A_221 : i32
        scf.if %cond3A_222 {
          "tpu.region"() ({
            %run_scoped3A = tpu.sem_alloc : memref<!tpu.dma_semaphore, #tpu.memory_space<semaphore_mem>>
            %dma_start3A_223 = arith.constant 0 : i32
            %dma_start3A_224 = tpu.memref_slice %arg3[%add3A_212, %dma_start3A_223] : memref<2560x128xi32, #tpu.memory_space<hbm>> -> memref<16x128xi32, #tpu.memory_space<hbm>>
            %dma_start3A_225 = arith.constant 0 : i32
            %dma_start3A_226 = tpu.memref_slice %arg3[%add3A_212, %dma_start3A_225] : memref<2560x128xi32, #tpu.memory_space<hbm>> -> memref<16x128xi32, #tpu.memory_space<hbm>>
            tpu.enqueue_dma source(%dma_start3A_226 : memref<16x128xi32, #tpu.memory_space<hbm>>) target(%arg7 : memref<16x128xi32, #tpu.memory_space<vmem>>) target_semaphore(%run_scoped3A : memref<!tpu.dma_semaphore, #tpu.memory_space<semaphore_mem>>)
            %dma_wait3A_227 = arith.constant 0 : i32
            %dma_wait3A_228 = tpu.memref_slice %arg3[%add3A_212, %dma_wait3A_227] : memref<2560x128xi32, #tpu.memory_space<hbm>> -> memref<16x128xi32, #tpu.memory_space<hbm>>
            %dma_wait3A_229 = arith.constant 0 : i32
            %dma_wait3A_230 = tpu.memref_slice %arg3[%add3A_212, %dma_wait3A_229] : memref<2560x128xi32, #tpu.memory_space<hbm>> -> memref<16x128xi32, #tpu.memory_space<hbm>>
            tpu.wait_dma2 semaphore(%run_scoped3A : memref<!tpu.dma_semaphore, #tpu.memory_space<semaphore_mem>>) src(%dma_wait3A_230 : memref<16x128xi32, #tpu.memory_space<hbm>>) dst(%arg7 : memref<16x128xi32, #tpu.memory_space<vmem>>)
            tpu.yield
          }) : () -> ()
        } else {
        }
        "tpu.region"() ({
          %run_scoped3A = tpu.sem_alloc : memref<!tpu.dma_semaphore, #tpu.memory_space<semaphore_mem>>
          %dma_start3A_223 = arith.constant 0 : i32
          %dma_start3A_224 = tpu.memref_slice %arg4[%add3A_212, %dma_start3A_223] : memref<2560x128xi32, #tpu.memory_space<hbm>> -> memref<16x128xi32, #tpu.memory_space<hbm>>
          %dma_start3A_225 = arith.constant 0 : i32
          %dma_start3A_226 = tpu.memref_slice %arg4[%add3A_212, %dma_start3A_225] : memref<2560x128xi32, #tpu.memory_space<hbm>> -> memref<16x128xi32, #tpu.memory_space<hbm>>
          tpu.enqueue_dma source(%dma_start3A_226 : memref<16x128xi32, #tpu.memory_space<hbm>>) target(%arg8 : memref<16x128xi32, #tpu.memory_space<vmem>>) target_semaphore(%run_scoped3A : memref<!tpu.dma_semaphore, #tpu.memory_space<semaphore_mem>>)
          %dma_wait3A_227 = arith.constant 0 : i32
          %dma_wait3A_228 = tpu.memref_slice %arg4[%add3A_212, %dma_wait3A_227] : memref<2560x128xi32, #tpu.memory_space<hbm>> -> memref<16x128xi32, #tpu.memory_space<hbm>>
          %dma_wait3A_229 = arith.constant 0 : i32
          %dma_wait3A_230 = tpu.memref_slice %arg4[%add3A_212, %dma_wait3A_229] : memref<2560x128xi32, #tpu.memory_space<hbm>> -> memref<16x128xi32, #tpu.memory_space<hbm>>
          tpu.wait_dma2 semaphore(%run_scoped3A : memref<!tpu.dma_semaphore, #tpu.memory_space<semaphore_mem>>) src(%dma_wait3A_230 : memref<16x128xi32, #tpu.memory_space<hbm>>) dst(%arg8 : memref<16x128xi32, #tpu.memory_space<vmem>>)
          tpu.yield
        }) : () -> ()
      } else {
      }
      %jit3A_89 = arith.constant 8 : i32
      %eq3A_90 = arith.constant 0 : i32
      %eq3A_91 = arith.cmpi eq, %jit3A_89, %eq3A_90 : i32
      %jit3A_92 = arith.constant 1 : i32
      %select_n3A_93 = arith.select %eq3A_91, %jit3A_92, %jit3A_89 : i32
      %rem3A_94 = arith.remsi %scan3A_52, %select_n3A_93 : i32
      %ne3A_95 = arith.constant 0 : i32
      %ne3A_96 = arith.cmpi ne, %rem3A_94, %ne3A_95 : i32
      %lt3A_97 = arith.constant 0 : i32
      %lt3A_98 = arith.cmpi slt, %rem3A_94, %lt3A_97 : i32
      %lt3A_99 = arith.constant 0 : i32
      %lt3A_100 = arith.cmpi slt, %select_n3A_93, %lt3A_99 : i32
      %ne3A_101 = arith.xori %lt3A_98, %lt3A_100 : i1
      %and3A_102 = arith.andi %ne3A_101, %ne3A_96 : i1
      %add3A_103 = arith.addi %rem3A_94, %select_n3A_93 : i32
      %select_n3A_104 = arith.select %and3A_102, %add3A_103, %rem3A_94 : i32
      %ne3A_105 = arith.constant 0 : i32
      %ne3A_106 = arith.cmpi ne, %select_n3A_104, %ne3A_105 : i32
      %gt3A_107 = arith.constant 0 : i32
      %gt3A_108 = arith.cmpi sgt, %scan3A_52, %gt3A_107 : i32
      %and3A_109 = arith.andi %ne3A_106, %gt3A_108 : i1
      %convert_element_type3A_110 = arith.extui %and3A_109 : i1 to i32
      %cond3A_111 = arith.constant 0 : i32
      %cond3A_112 = arith.cmpi ne, %convert_element_type3A_110, %cond3A_111 : i32
      scf.if %cond3A_112 {
        %dma_wait3A_187 = arith.constant 0 : i32
        %dma_wait3A_188 = arith.constant 0 : i32
        %dma_wait3A_189 = tpu.memref_slice %arg8[%dma_wait3A_187, %dma_wait3A_188] : memref<16x128xi32, #tpu.memory_space<vmem>> -> memref<1x128xi32, #tpu.memory_space<vmem>>
        %dma_wait3A_190 = tpu.memref_squeeze %dma_wait3A_189 : memref<1x128xi32, #tpu.memory_space<vmem>> -> memref<128xi32, #tpu.memory_space<vmem>>
        %dma_wait3A_191 = arith.constant 0 : i32
        %dma_wait3A_192 = arith.constant 0 : i32
        %dma_wait3A_193 = tpu.memref_slice %arg11[%dma_wait3A_191, %dma_wait3A_192] : memref<10240x128xf32, #tpu.memory_space<vmem_shared>> -> memref<10240x128xf32, #tpu.memory_space<vmem_shared>>
        tpu.wait_indirect_dma semaphore(%arg14 : memref<!tpu.dma_semaphore, #tpu.memory_space<semaphore_mem>>) src(%arg9 : memref<128x128xf32, #tpu.memory_space<vmem>>) dst(%dma_wait3A_193 : memref<10240x128xf32, #tpu.memory_space<vmem_shared>>)
        %dma_wait3A_194 = arith.constant 0 : i32
        %dma_wait3A_195 = arith.constant 0 : i32
        %dma_wait3A_196 = tpu.memref_slice %arg8[%dma_wait3A_194, %dma_wait3A_195] : memref<16x128xi32, #tpu.memory_space<vmem>> -> memref<1x128xi32, #tpu.memory_space<vmem>>
        %dma_wait3A_197 = tpu.memref_squeeze %dma_wait3A_196 : memref<1x128xi32, #tpu.memory_space<vmem>> -> memref<128xi32, #tpu.memory_space<vmem>>
        %dma_wait3A_198 = arith.constant 0 : i32
        %dma_wait3A_199 = arith.constant 0 : i32
        %dma_wait3A_200 = tpu.memref_slice %arg11[%dma_wait3A_198, %dma_wait3A_199] : memref<10240x128xf32, #tpu.memory_space<vmem_shared>> -> memref<10240x128xf32, #tpu.memory_space<vmem_shared>>
        tpu.wait_indirect_dma semaphore(%arg15 : memref<!tpu.dma_semaphore, #tpu.memory_space<semaphore_mem>>) src(%arg10 : memref<128x128xf32, #tpu.memory_space<vmem>>) dst(%dma_wait3A_200 : memref<10240x128xf32, #tpu.memory_space<vmem_shared>>)
      } else {
      }
      %mul3A_113 = arith.constant 2 : i32
      %mul3A_114 = arith.muli %mul3A_113, %scan3A_52 : i32
      %jit3A_115 = arith.constant 16 : i32
      %eq3A_116 = arith.constant 0 : i32
      %eq3A_117 = arith.cmpi eq, %jit3A_115, %eq3A_116 : i32
      %jit3A_118 = arith.constant 1 : i32
      %select_n3A_119 = arith.select %eq3A_117, %jit3A_118, %jit3A_115 : i32
      %rem3A_120 = arith.remsi %mul3A_114, %select_n3A_119 : i32
      %ne3A_121 = arith.constant 0 : i32
      %ne3A_122 = arith.cmpi ne, %rem3A_120, %ne3A_121 : i32
      %lt3A_123 = arith.constant 0 : i32
      %lt3A_124 = arith.cmpi slt, %rem3A_120, %lt3A_123 : i32
      %lt3A_125 = arith.constant 0 : i32
      %lt3A_126 = arith.cmpi slt, %select_n3A_119, %lt3A_125 : i32
      %ne3A_127 = arith.xori %lt3A_124, %lt3A_126 : i1
      %and3A_128 = arith.andi %ne3A_127, %ne3A_122 : i1
      %add3A_129 = arith.addi %rem3A_120, %select_n3A_119 : i32
      %select_n3A_130 = arith.select %and3A_128, %add3A_129, %rem3A_120 : i32
      %mul3A_131 = arith.constant 2 : i32
      %mul3A_132 = arith.muli %mul3A_131, %scan3A_52 : i32
      %add3A_133 = arith.constant 1 : i32
      %add3A_134 = arith.addi %mul3A_132, %add3A_133 : i32
      %jit3A_135 = arith.constant 16 : i32
      %eq3A_136 = arith.constant 0 : i32
      %eq3A_137 = arith.cmpi eq, %jit3A_135, %eq3A_136 : i32
      %jit3A_138 = arith.constant 1 : i32
      %select_n3A_139 = arith.select %eq3A_137, %jit3A_138, %jit3A_135 : i32
      %rem3A_140 = arith.remsi %add3A_134, %select_n3A_139 : i32
      %ne3A_141 = arith.constant 0 : i32
      %ne3A_142 = arith.cmpi ne, %rem3A_140, %ne3A_141 : i32
      %lt3A_143 = arith.constant 0 : i32
      %lt3A_144 = arith.cmpi slt, %rem3A_140, %lt3A_143 : i32
      %lt3A_145 = arith.constant 0 : i32
      %lt3A_146 = arith.cmpi slt, %select_n3A_139, %lt3A_145 : i32
      %ne3A_147 = arith.xori %lt3A_144, %lt3A_146 : i1
      %and3A_148 = arith.andi %ne3A_147, %ne3A_142 : i1
      %add3A_149 = arith.addi %rem3A_140, %select_n3A_139 : i32
      %select_n3A_150 = arith.select %and3A_148, %add3A_149, %rem3A_140 : i32
      %dma_start3A = arith.constant 0 : i32
      %dma_start3A_151 = tpu.memref_slice %arg7[%select_n3A_130, %dma_start3A] : memref<16x128xi32, #tpu.memory_space<vmem>> -> memref<1x128xi32, #tpu.memory_space<vmem>>
      %dma_start3A_152 = tpu.memref_squeeze %dma_start3A_151 : memref<1x128xi32, #tpu.memory_space<vmem>> -> memref<128xi32, #tpu.memory_space<vmem>>
      %dma_start3A_153 = arith.constant 0 : i32
      %dma_start3A_154 = arith.constant 0 : i32
      %dma_start3A_155 = tpu.memref_slice %arg5[%dma_start3A_153, %dma_start3A_154] : memref<20000x128xf32, #tpu.memory_space<hbm>> -> memref<20000x128xf32, #tpu.memory_space<hbm>>
      tpu.enqueue_indirect_dma source(%dma_start3A_155 : memref<20000x128xf32, #tpu.memory_space<hbm>>) target(%arg9 : memref<128x128xf32, #tpu.memory_space<vmem>>) offsets(%dma_start3A_152 : memref<128xi32, #tpu.memory_space<vmem>>) semaphore(%arg12 : memref<!tpu.dma_semaphore, #tpu.memory_space<semaphore_mem>>)
      %dma_start3A_156 = arith.constant 0 : i32
      %dma_start3A_157 = tpu.memref_slice %arg7[%select_n3A_150, %dma_start3A_156] : memref<16x128xi32, #tpu.memory_space<vmem>> -> memref<1x128xi32, #tpu.memory_space<vmem>>
      %dma_start3A_158 = tpu.memref_squeeze %dma_start3A_157 : memref<1x128xi32, #tpu.memory_space<vmem>> -> memref<128xi32, #tpu.memory_space<vmem>>
      %dma_start3A_159 = arith.constant 0 : i32
      %dma_start3A_160 = arith.constant 0 : i32
      %dma_start3A_161 = tpu.memref_slice %arg5[%dma_start3A_159, %dma_start3A_160] : memref<20000x128xf32, #tpu.memory_space<hbm>> -> memref<20000x128xf32, #tpu.memory_space<hbm>>
      tpu.enqueue_indirect_dma source(%dma_start3A_161 : memref<20000x128xf32, #tpu.memory_space<hbm>>) target(%arg10 : memref<128x128xf32, #tpu.memory_space<vmem>>) offsets(%dma_start3A_158 : memref<128xi32, #tpu.memory_space<vmem>>) semaphore(%arg13 : memref<!tpu.dma_semaphore, #tpu.memory_space<semaphore_mem>>)
      %dma_wait3A_162 = arith.constant 0 : i32
      %dma_wait3A_163 = tpu.memref_slice %arg7[%select_n3A_130, %dma_wait3A_162] : memref<16x128xi32, #tpu.memory_space<vmem>> -> memref<1x128xi32, #tpu.memory_space<vmem>>
      %dma_wait3A_164 = tpu.memref_squeeze %dma_wait3A_163 : memref<1x128xi32, #tpu.memory_space<vmem>> -> memref<128xi32, #tpu.memory_space<vmem>>
      %dma_wait3A_165 = arith.constant 0 : i32
      %dma_wait3A_166 = arith.constant 0 : i32
      %dma_wait3A_167 = tpu.memref_slice %arg5[%dma_wait3A_165, %dma_wait3A_166] : memref<20000x128xf32, #tpu.memory_space<hbm>> -> memref<20000x128xf32, #tpu.memory_space<hbm>>
      tpu.wait_indirect_dma semaphore(%arg12 : memref<!tpu.dma_semaphore, #tpu.memory_space<semaphore_mem>>) src(%dma_wait3A_167 : memref<20000x128xf32, #tpu.memory_space<hbm>>) dst(%arg9 : memref<128x128xf32, #tpu.memory_space<vmem>>)
      %dma_start3A_168 = arith.constant 0 : i32
      %dma_start3A_169 = tpu.memref_slice %arg8[%select_n3A_130, %dma_start3A_168] : memref<16x128xi32, #tpu.memory_space<vmem>> -> memref<1x128xi32, #tpu.memory_space<vmem>>
      %dma_start3A_170 = tpu.memref_squeeze %dma_start3A_169 : memref<1x128xi32, #tpu.memory_space<vmem>> -> memref<128xi32, #tpu.memory_space<vmem>>
      %dma_start3A_171 = arith.constant 0 : i32
      %dma_start3A_172 = arith.constant 0 : i32
      %dma_start3A_173 = tpu.memref_slice %arg11[%dma_start3A_171, %dma_start3A_172] : memref<10240x128xf32, #tpu.memory_space<vmem_shared>> -> memref<10240x128xf32, #tpu.memory_space<vmem_shared>>
      tpu.enqueue_indirect_dma source(%arg9 : memref<128x128xf32, #tpu.memory_space<vmem>>) target(%dma_start3A_173 : memref<10240x128xf32, #tpu.memory_space<vmem_shared>>) offsets(%dma_start3A_170 : memref<128xi32, #tpu.memory_space<vmem>>) semaphore(%arg14 : memref<!tpu.dma_semaphore, #tpu.memory_space<semaphore_mem>>) {add = true}
      %dma_wait3A_174 = arith.constant 0 : i32
      %dma_wait3A_175 = tpu.memref_slice %arg7[%select_n3A_150, %dma_wait3A_174] : memref<16x128xi32, #tpu.memory_space<vmem>> -> memref<1x128xi32, #tpu.memory_space<vmem>>
      %dma_wait3A_176 = tpu.memref_squeeze %dma_wait3A_175 : memref<1x128xi32, #tpu.memory_space<vmem>> -> memref<128xi32, #tpu.memory_space<vmem>>
      %dma_wait3A_177 = arith.constant 0 : i32
      %dma_wait3A_178 = arith.constant 0 : i32
      %dma_wait3A_179 = tpu.memref_slice %arg5[%dma_wait3A_177, %dma_wait3A_178] : memref<20000x128xf32, #tpu.memory_space<hbm>> -> memref<20000x128xf32, #tpu.memory_space<hbm>>
      tpu.wait_indirect_dma semaphore(%arg13 : memref<!tpu.dma_semaphore, #tpu.memory_space<semaphore_mem>>) src(%dma_wait3A_179 : memref<20000x128xf32, #tpu.memory_space<hbm>>) dst(%arg10 : memref<128x128xf32, #tpu.memory_space<vmem>>)
      %dma_start3A_180 = arith.constant 0 : i32
      %dma_start3A_181 = tpu.memref_slice %arg8[%select_n3A_150, %dma_start3A_180] : memref<16x128xi32, #tpu.memory_space<vmem>> -> memref<1x128xi32, #tpu.memory_space<vmem>>
      %dma_start3A_182 = tpu.memref_squeeze %dma_start3A_181 : memref<1x128xi32, #tpu.memory_space<vmem>> -> memref<128xi32, #tpu.memory_space<vmem>>
      %dma_start3A_183 = arith.constant 0 : i32
      %dma_start3A_184 = arith.constant 0 : i32
      %dma_start3A_185 = tpu.memref_slice %arg11[%dma_start3A_183, %dma_start3A_184] : memref<10240x128xf32, #tpu.memory_space<vmem_shared>> -> memref<10240x128xf32, #tpu.memory_space<vmem_shared>>
      tpu.enqueue_indirect_dma source(%arg10 : memref<128x128xf32, #tpu.memory_space<vmem>>) target(%dma_start3A_185 : memref<10240x128xf32, #tpu.memory_space<vmem_shared>>) offsets(%dma_start3A_182 : memref<128xi32, #tpu.memory_space<vmem>>) semaphore(%arg15 : memref<!tpu.dma_semaphore, #tpu.memory_space<semaphore_mem>>) {add = true}
      %scan3A_186 = arith.constant 0 : i32
      scf.yield %scan3A_186 : i32
    }
    %scan3A_30 = arith.constant 80 : i32
    %dma_wait3A = arith.constant 0 : i32
    %dma_wait3A_31 = arith.constant 0 : i32
    %dma_wait3A_32 = tpu.memref_slice %arg8[%dma_wait3A, %dma_wait3A_31] : memref<16x128xi32, #tpu.memory_space<vmem>> -> memref<1x128xi32, #tpu.memory_space<vmem>>
    %dma_wait3A_33 = tpu.memref_squeeze %dma_wait3A_32 : memref<1x128xi32, #tpu.memory_space<vmem>> -> memref<128xi32, #tpu.memory_space<vmem>>
    %dma_wait3A_34 = arith.constant 0 : i32
    %dma_wait3A_35 = arith.constant 0 : i32
    %dma_wait3A_36 = tpu.memref_slice %arg11[%dma_wait3A_34, %dma_wait3A_35] : memref<10240x128xf32, #tpu.memory_space<vmem_shared>> -> memref<10240x128xf32, #tpu.memory_space<vmem_shared>>
    tpu.wait_indirect_dma semaphore(%arg14 : memref<!tpu.dma_semaphore, #tpu.memory_space<semaphore_mem>>) src(%arg9 : memref<128x128xf32, #tpu.memory_space<vmem>>) dst(%dma_wait3A_36 : memref<10240x128xf32, #tpu.memory_space<vmem_shared>>)
    %dma_wait3A_37 = arith.constant 0 : i32
    %dma_wait3A_38 = arith.constant 0 : i32
    %dma_wait3A_39 = tpu.memref_slice %arg8[%dma_wait3A_37, %dma_wait3A_38] : memref<16x128xi32, #tpu.memory_space<vmem>> -> memref<1x128xi32, #tpu.memory_space<vmem>>
    %dma_wait3A_40 = tpu.memref_squeeze %dma_wait3A_39 : memref<1x128xi32, #tpu.memory_space<vmem>> -> memref<128xi32, #tpu.memory_space<vmem>>
    %dma_wait3A_41 = arith.constant 0 : i32
    %dma_wait3A_42 = arith.constant 0 : i32
    %dma_wait3A_43 = tpu.memref_slice %arg11[%dma_wait3A_41, %dma_wait3A_42] : memref<10240x128xf32, #tpu.memory_space<vmem_shared>> -> memref<10240x128xf32, #tpu.memory_space<vmem_shared>>
    tpu.wait_indirect_dma semaphore(%arg15 : memref<!tpu.dma_semaphore, #tpu.memory_space<semaphore_mem>>) src(%arg10 : memref<128x128xf32, #tpu.memory_space<vmem>>) dst(%dma_wait3A_43 : memref<10240x128xf32, #tpu.memory_space<vmem_shared>>)
    %barrier3A_44 = arith.constant 0 : index
    tpu.barrier barrier_id(%barrier3A_44)
    %mul3A_45 = arith.constant 640 : i32
    %mul3A_46 = arith.muli %arg1, %mul3A_45 : i32
    %mul3A_47 = arith.constant 10240 : i32
    %mul3A_48 = arith.muli %arg0, %mul3A_47 : i32
    %mul3A_49 = arith.constant 640 : i32
    %mul3A_50 = arith.muli %arg1, %mul3A_49 : i32
    %add3A_51 = arith.addi %mul3A_48, %mul3A_50 : i32
    "tpu.region"() ({
      %run_scoped3A = tpu.sem_alloc : memref<!tpu.dma_semaphore, #tpu.memory_space<semaphore_mem>>
      %dma_start3A = arith.constant 0 : i32
      %dma_start3A_52 = tpu.memref_slice %arg6[%add3A_51, %dma_start3A] : memref<20480x128xf32, #tpu.memory_space<hbm>> -> memref<640x128xf32, #tpu.memory_space<hbm>>
      %dma_start3A_53 = arith.constant 0 : i32
      %dma_start3A_54 = tpu.memref_slice %arg11[%mul3A_46, %dma_start3A_53] : memref<10240x128xf32, #tpu.memory_space<vmem_shared>> -> memref<640x128xf32, #tpu.memory_space<vmem_shared>>
      tpu.enqueue_dma source(%dma_start3A_54 : memref<640x128xf32, #tpu.memory_space<vmem_shared>>) target(%dma_start3A_52 : memref<640x128xf32, #tpu.memory_space<hbm>>) target_semaphore(%run_scoped3A : memref<!tpu.dma_semaphore, #tpu.memory_space<semaphore_mem>>)
      %dma_wait3A_55 = arith.constant 0 : i32
      %dma_wait3A_56 = tpu.memref_slice %arg6[%add3A_51, %dma_wait3A_55] : memref<20480x128xf32, #tpu.memory_space<hbm>> -> memref<640x128xf32, #tpu.memory_space<hbm>>
      %dma_wait3A_57 = arith.constant 0 : i32
      %dma_wait3A_58 = tpu.memref_slice %arg11[%mul3A_46, %dma_wait3A_57] : memref<10240x128xf32, #tpu.memory_space<vmem_shared>> -> memref<640x128xf32, #tpu.memory_space<vmem_shared>>
      tpu.wait_dma2 semaphore(%run_scoped3A : memref<!tpu.dma_semaphore, #tpu.memory_space<semaphore_mem>>) src(%dma_wait3A_58 : memref<640x128xf32, #tpu.memory_space<vmem_shared>>) dst(%dma_wait3A_56 : memref<640x128xf32, #tpu.memory_space<hbm>>)
      tpu.yield
    }) : () -> ()
    return
  }
}

#map = affine_map<(d0, d1) -> (0, 0)>
module attributes {stable_mosaic.version = 14 : i64} {
  func.func @k(%arg0: i32, %arg1: i32, %arg2: memref<2560x128xi32, #tpu.memory_space<hbm>>, %arg3: memref<20480x128xf32, #tpu.memory_space<hbm>>, %arg4: memref<80x128xi32, #tpu.memory_space<vmem>>, %arg5: memref<128x128xf32, #tpu.memory_space<vmem>>, %arg6: memref<10240x128xf32, #tpu.memory_space<vmem_shared>>) attributes {dimension_semantics = [#tpu.dimension_semantics<core_parallel>, #tpu.dimension_semantics<subcore_parallel>], iteration_bounds = array<i64: 2, 16>, scalar_prefetch = 0 : i64, scratch_operands = 3 : i64, tpu.core_type = #tpu.core_type<sc_vector_subcore>, window_params = [{transform_indices = #map}, {transform_indices = #map}]} {
    %mul3A = arith.constant 16 : i32
    %mul3A_0 = arith.muli %arg0, %mul3A : i32
    %add3A = arith.addi %mul3A_0, %arg1 : i32
    %mul3A_1 = arith.constant 80 : i32
    %mul3A_2 = arith.muli %add3A, %mul3A_1 : i32
    "tpu.region"() ({
      %run_scoped3A = tpu.sem_alloc : memref<!tpu.dma_semaphore, #tpu.memory_space<semaphore_mem>>
      %dma_start3A = arith.constant 0 : i32
      %dma_start3A_51 = tpu.memref_slice %arg2[%mul3A_2, %dma_start3A] : memref<2560x128xi32, #tpu.memory_space<hbm>> -> memref<80x128xi32, #tpu.memory_space<hbm>>
      %dma_start3A_52 = arith.constant 0 : i32
      %dma_start3A_53 = tpu.memref_slice %arg2[%mul3A_2, %dma_start3A_52] : memref<2560x128xi32, #tpu.memory_space<hbm>> -> memref<80x128xi32, #tpu.memory_space<hbm>>
      tpu.enqueue_dma source(%dma_start3A_53 : memref<80x128xi32, #tpu.memory_space<hbm>>) target(%arg4 : memref<80x128xi32, #tpu.memory_space<vmem>>) target_semaphore(%run_scoped3A : memref<!tpu.dma_semaphore, #tpu.memory_space<semaphore_mem>>)
      %dma_wait3A = arith.constant 0 : i32
      %dma_wait3A_54 = tpu.memref_slice %arg2[%mul3A_2, %dma_wait3A] : memref<2560x128xi32, #tpu.memory_space<hbm>> -> memref<80x128xi32, #tpu.memory_space<hbm>>
      %dma_wait3A_55 = arith.constant 0 : i32
      %dma_wait3A_56 = tpu.memref_slice %arg2[%mul3A_2, %dma_wait3A_55] : memref<2560x128xi32, #tpu.memory_space<hbm>> -> memref<80x128xi32, #tpu.memory_space<hbm>>
      tpu.wait_dma2 semaphore(%run_scoped3A : memref<!tpu.dma_semaphore, #tpu.memory_space<semaphore_mem>>) src(%dma_wait3A_56 : memref<80x128xi32, #tpu.memory_space<hbm>>) dst(%arg4 : memref<80x128xi32, #tpu.memory_space<vmem>>)
      tpu.yield
    }) : () -> ()
    %scan3A = arith.constant 0 : i32
    %scan3A_3 = arith.constant 0 : i32
    %scan3A_4 = arith.constant 128 : i32
    %scan3A_5 = arith.addi %scan3A_3, %scan3A_4 : i32
    %scan3A_6 = arith.constant 1 : i32
    %scan3A_7 = scf.for %scan3A_51 = %scan3A_3 to %scan3A_5 step %scan3A_6 iter_args(%scan3A_52 = %scan3A) -> (i32)  : i32 {
      %broadcast_in_dim3A = arith.constant 0.000000e+00 : f32
      %broadcast_in_dim3A_53 = vector.broadcast %broadcast_in_dim3A : f32 to vector<16xf32>
      %swap3A = arith.index_cast %scan3A_51 : i32 to index
      %swap3A_54 = arith.constant 0 : index
      %swap3A_55 = tpu.vector_load %arg5[%swap3A, %swap3A_54] {strides = array<i32>} : memref<128x128xf32, #tpu.memory_space<vmem>>, vector<1x16xf32>,
      %swap3A_56 = vector.shape_cast %swap3A_55 : vector<1x16xf32> to vector<16xf32>
      %swap3A_57 = vector.shape_cast %broadcast_in_dim3A_53 : vector<16xf32> to vector<1x16xf32>
      tpu.vector_store %arg5[%swap3A, %swap3A_54], %swap3A_57 {strides = array<i32>} : memref<128x128xf32, #tpu.memory_space<vmem>>, vector<1x16xf32>,
      %broadcast_in_dim3A_58 = arith.constant 0.000000e+00 : f32
      %broadcast_in_dim3A_59 = vector.broadcast %broadcast_in_dim3A_58 : f32 to vector<16xf32>
      %swap3A_60 = arith.index_cast %scan3A_51 : i32 to index
      %swap3A_61 = arith.constant 16 : index
      %swap3A_62 = tpu.vector_load %arg5[%swap3A_60, %swap3A_61] {strides = array<i32>} : memref<128x128xf32, #tpu.memory_space<vmem>>, vector<1x16xf32>,
      %swap3A_63 = vector.shape_cast %swap3A_62 : vector<1x16xf32> to vector<16xf32>
      %swap3A_64 = vector.shape_cast %broadcast_in_dim3A_59 : vector<16xf32> to vector<1x16xf32>
      tpu.vector_store %arg5[%swap3A_60, %swap3A_61], %swap3A_64 {strides = array<i32>} : memref<128x128xf32, #tpu.memory_space<vmem>>, vector<1x16xf32>,
      %broadcast_in_dim3A_65 = arith.constant 0.000000e+00 : f32
      %broadcast_in_dim3A_66 = vector.broadcast %broadcast_in_dim3A_65 : f32 to vector<16xf32>
      %swap3A_67 = arith.index_cast %scan3A_51 : i32 to index
      %swap3A_68 = arith.constant 32 : index
      %swap3A_69 = tpu.vector_load %arg5[%swap3A_67, %swap3A_68] {strides = array<i32>} : memref<128x128xf32, #tpu.memory_space<vmem>>, vector<1x16xf32>,
      %swap3A_70 = vector.shape_cast %swap3A_69 : vector<1x16xf32> to vector<16xf32>
      %swap3A_71 = vector.shape_cast %broadcast_in_dim3A_66 : vector<16xf32> to vector<1x16xf32>
      tpu.vector_store %arg5[%swap3A_67, %swap3A_68], %swap3A_71 {strides = array<i32>} : memref<128x128xf32, #tpu.memory_space<vmem>>, vector<1x16xf32>,
      %broadcast_in_dim3A_72 = arith.constant 0.000000e+00 : f32
      %broadcast_in_dim3A_73 = vector.broadcast %broadcast_in_dim3A_72 : f32 to vector<16xf32>
      %swap3A_74 = arith.index_cast %scan3A_51 : i32 to index
      %swap3A_75 = arith.constant 48 : index
      %swap3A_76 = tpu.vector_load %arg5[%swap3A_74, %swap3A_75] {strides = array<i32>} : memref<128x128xf32, #tpu.memory_space<vmem>>, vector<1x16xf32>,
      %swap3A_77 = vector.shape_cast %swap3A_76 : vector<1x16xf32> to vector<16xf32>
      %swap3A_78 = vector.shape_cast %broadcast_in_dim3A_73 : vector<16xf32> to vector<1x16xf32>
      tpu.vector_store %arg5[%swap3A_74, %swap3A_75], %swap3A_78 {strides = array<i32>} : memref<128x128xf32, #tpu.memory_space<vmem>>, vector<1x16xf32>,
      %broadcast_in_dim3A_79 = arith.constant 0.000000e+00 : f32
      %broadcast_in_dim3A_80 = vector.broadcast %broadcast_in_dim3A_79 : f32 to vector<16xf32>
      %swap3A_81 = arith.index_cast %scan3A_51 : i32 to index
      %swap3A_82 = arith.constant 64 : index
      %swap3A_83 = tpu.vector_load %arg5[%swap3A_81, %swap3A_82] {strides = array<i32>} : memref<128x128xf32, #tpu.memory_space<vmem>>, vector<1x16xf32>,
      %swap3A_84 = vector.shape_cast %swap3A_83 : vector<1x16xf32> to vector<16xf32>
      %swap3A_85 = vector.shape_cast %broadcast_in_dim3A_80 : vector<16xf32> to vector<1x16xf32>
      tpu.vector_store %arg5[%swap3A_81, %swap3A_82], %swap3A_85 {strides = array<i32>} : memref<128x128xf32, #tpu.memory_space<vmem>>, vector<1x16xf32>,
      %broadcast_in_dim3A_86 = arith.constant 0.000000e+00 : f32
      %broadcast_in_dim3A_87 = vector.broadcast %broadcast_in_dim3A_86 : f32 to vector<16xf32>
      %swap3A_88 = arith.index_cast %scan3A_51 : i32 to index
      %swap3A_89 = arith.constant 80 : index
      %swap3A_90 = tpu.vector_load %arg5[%swap3A_88, %swap3A_89] {strides = array<i32>} : memref<128x128xf32, #tpu.memory_space<vmem>>, vector<1x16xf32>,
      %swap3A_91 = vector.shape_cast %swap3A_90 : vector<1x16xf32> to vector<16xf32>
      %swap3A_92 = vector.shape_cast %broadcast_in_dim3A_87 : vector<16xf32> to vector<1x16xf32>
      tpu.vector_store %arg5[%swap3A_88, %swap3A_89], %swap3A_92 {strides = array<i32>} : memref<128x128xf32, #tpu.memory_space<vmem>>, vector<1x16xf32>,
      %broadcast_in_dim3A_93 = arith.constant 0.000000e+00 : f32
      %broadcast_in_dim3A_94 = vector.broadcast %broadcast_in_dim3A_93 : f32 to vector<16xf32>
      %swap3A_95 = arith.index_cast %scan3A_51 : i32 to index
      %swap3A_96 = arith.constant 96 : index
      %swap3A_97 = tpu.vector_load %arg5[%swap3A_95, %swap3A_96] {strides = array<i32>} : memref<128x128xf32, #tpu.memory_space<vmem>>, vector<1x16xf32>,
      %swap3A_98 = vector.shape_cast %swap3A_97 : vector<1x16xf32> to vector<16xf32>
      %swap3A_99 = vector.shape_cast %broadcast_in_dim3A_94 : vector<16xf32> to vector<1x16xf32>
      tpu.vector_store %arg5[%swap3A_95, %swap3A_96], %swap3A_99 {strides = array<i32>} : memref<128x128xf32, #tpu.memory_space<vmem>>, vector<1x16xf32>,
      %broadcast_in_dim3A_100 = arith.constant 0.000000e+00 : f32
      %broadcast_in_dim3A_101 = vector.broadcast %broadcast_in_dim3A_100 : f32 to vector<16xf32>
      %swap3A_102 = arith.index_cast %scan3A_51 : i32 to index
      %swap3A_103 = arith.constant 112 : index
      %swap3A_104 = tpu.vector_load %arg5[%swap3A_102, %swap3A_103] {strides = array<i32>} : memref<128x128xf32, #tpu.memory_space<vmem>>, vector<1x16xf32>,
      %swap3A_105 = vector.shape_cast %swap3A_104 : vector<1x16xf32> to vector<16xf32>
      %swap3A_106 = vector.shape_cast %broadcast_in_dim3A_101 : vector<16xf32> to vector<1x16xf32>
      tpu.vector_store %arg5[%swap3A_102, %swap3A_103], %swap3A_106 {strides = array<i32>} : memref<128x128xf32, #tpu.memory_space<vmem>>, vector<1x16xf32>,
      %scan3A_107 = arith.constant 0 : i32
      scf.yield %scan3A_107 : i32
    }
    %scan3A_8 = arith.constant 128 : i32
    %mul3A_9 = arith.constant 640 : i32
    %mul3A_10 = arith.muli %arg1, %mul3A_9 : i32
    %add3A_11 = arith.constant 0 : i32
    %add3A_12 = arith.addi %mul3A_10, %add3A_11 : i32
    "tpu.region"() ({
      %run_scoped3A = tpu.sem_alloc : memref<!tpu.dma_semaphore, #tpu.memory_space<semaphore_mem>>
      %dma_start3A = arith.constant 0 : i32
      %dma_start3A_51 = tpu.memref_slice %arg6[%add3A_12, %dma_start3A] : memref<10240x128xf32, #tpu.memory_space<vmem_shared>> -> memref<128x128xf32, #tpu.memory_space<vmem_shared>>
      %dma_start3A_52 = arith.constant 0 : i32
      %dma_start3A_53 = tpu.memref_slice %arg6[%add3A_12, %dma_start3A_52] : memref<10240x128xf32, #tpu.memory_space<vmem_shared>> -> memref<128x128xf32, #tpu.memory_space<vmem_shared>>
      tpu.enqueue_dma source(%arg5 : memref<128x128xf32, #tpu.memory_space<vmem>>) target(%dma_start3A_53 : memref<128x128xf32, #tpu.memory_space<vmem_shared>>) target_semaphore(%run_scoped3A : memref<!tpu.dma_semaphore, #tpu.memory_space<semaphore_mem>>)
      %dma_wait3A = arith.constant 0 : i32
      %dma_wait3A_54 = tpu.memref_slice %arg6[%add3A_12, %dma_wait3A] : memref<10240x128xf32, #tpu.memory_space<vmem_shared>> -> memref<128x128xf32, #tpu.memory_space<vmem_shared>>
      %dma_wait3A_55 = arith.constant 0 : i32
      %dma_wait3A_56 = tpu.memref_slice %arg6[%add3A_12, %dma_wait3A_55] : memref<10240x128xf32, #tpu.memory_space<vmem_shared>> -> memref<128x128xf32, #tpu.memory_space<vmem_shared>>
      tpu.wait_dma2 semaphore(%run_scoped3A : memref<!tpu.dma_semaphore, #tpu.memory_space<semaphore_mem>>) src(%arg5 : memref<128x128xf32, #tpu.memory_space<vmem>>) dst(%dma_wait3A_56 : memref<128x128xf32, #tpu.memory_space<vmem_shared>>)
      tpu.yield
    }) : () -> ()
    %mul3A_13 = arith.constant 640 : i32
    %mul3A_14 = arith.muli %arg1, %mul3A_13 : i32
    %add3A_15 = arith.constant 128 : i32
    %add3A_16 = arith.addi %mul3A_14, %add3A_15 : i32
    "tpu.region"() ({
      %run_scoped3A = tpu.sem_alloc : memref<!tpu.dma_semaphore, #tpu.memory_space<semaphore_mem>>
      %dma_start3A = arith.constant 0 : i32
      %dma_start3A_51 = tpu.memref_slice %arg6[%add3A_16, %dma_start3A] : memref<10240x128xf32, #tpu.memory_space<vmem_shared>> -> memref<128x128xf32, #tpu.memory_space<vmem_shared>>
      %dma_start3A_52 = arith.constant 0 : i32
      %dma_start3A_53 = tpu.memref_slice %arg6[%add3A_16, %dma_start3A_52] : memref<10240x128xf32, #tpu.memory_space<vmem_shared>> -> memref<128x128xf32, #tpu.memory_space<vmem_shared>>
      tpu.enqueue_dma source(%arg5 : memref<128x128xf32, #tpu.memory_space<vmem>>) target(%dma_start3A_53 : memref<128x128xf32, #tpu.memory_space<vmem_shared>>) target_semaphore(%run_scoped3A : memref<!tpu.dma_semaphore, #tpu.memory_space<semaphore_mem>>)
      %dma_wait3A = arith.constant 0 : i32
      %dma_wait3A_54 = tpu.memref_slice %arg6[%add3A_16, %dma_wait3A] : memref<10240x128xf32, #tpu.memory_space<vmem_shared>> -> memref<128x128xf32, #tpu.memory_space<vmem_shared>>
      %dma_wait3A_55 = arith.constant 0 : i32
      %dma_wait3A_56 = tpu.memref_slice %arg6[%add3A_16, %dma_wait3A_55] : memref<10240x128xf32, #tpu.memory_space<vmem_shared>> -> memref<128x128xf32, #tpu.memory_space<vmem_shared>>
      tpu.wait_dma2 semaphore(%run_scoped3A : memref<!tpu.dma_semaphore, #tpu.memory_space<semaphore_mem>>) src(%arg5 : memref<128x128xf32, #tpu.memory_space<vmem>>) dst(%dma_wait3A_56 : memref<128x128xf32, #tpu.memory_space<vmem_shared>>)
      tpu.yield
    }) : () -> ()
    %mul3A_17 = arith.constant 640 : i32
    %mul3A_18 = arith.muli %arg1, %mul3A_17 : i32
    %add3A_19 = arith.constant 256 : i32
    %add3A_20 = arith.addi %mul3A_18, %add3A_19 : i32
    "tpu.region"() ({
      %run_scoped3A = tpu.sem_alloc : memref<!tpu.dma_semaphore, #tpu.memory_space<semaphore_mem>>
      %dma_start3A = arith.constant 0 : i32
      %dma_start3A_51 = tpu.memref_slice %arg6[%add3A_20, %dma_start3A] : memref<10240x128xf32, #tpu.memory_space<vmem_shared>> -> memref<128x128xf32, #tpu.memory_space<vmem_shared>>
      %dma_start3A_52 = arith.constant 0 : i32
      %dma_start3A_53 = tpu.memref_slice %arg6[%add3A_20, %dma_start3A_52] : memref<10240x128xf32, #tpu.memory_space<vmem_shared>> -> memref<128x128xf32, #tpu.memory_space<vmem_shared>>
      tpu.enqueue_dma source(%arg5 : memref<128x128xf32, #tpu.memory_space<vmem>>) target(%dma_start3A_53 : memref<128x128xf32, #tpu.memory_space<vmem_shared>>) target_semaphore(%run_scoped3A : memref<!tpu.dma_semaphore, #tpu.memory_space<semaphore_mem>>)
      %dma_wait3A = arith.constant 0 : i32
      %dma_wait3A_54 = tpu.memref_slice %arg6[%add3A_20, %dma_wait3A] : memref<10240x128xf32, #tpu.memory_space<vmem_shared>> -> memref<128x128xf32, #tpu.memory_space<vmem_shared>>
      %dma_wait3A_55 = arith.constant 0 : i32
      %dma_wait3A_56 = tpu.memref_slice %arg6[%add3A_20, %dma_wait3A_55] : memref<10240x128xf32, #tpu.memory_space<vmem_shared>> -> memref<128x128xf32, #tpu.memory_space<vmem_shared>>
      tpu.wait_dma2 semaphore(%run_scoped3A : memref<!tpu.dma_semaphore, #tpu.memory_space<semaphore_mem>>) src(%arg5 : memref<128x128xf32, #tpu.memory_space<vmem>>) dst(%dma_wait3A_56 : memref<128x128xf32, #tpu.memory_space<vmem_shared>>)
      tpu.yield
    }) : () -> ()
    %mul3A_21 = arith.constant 640 : i32
    %mul3A_22 = arith.muli %arg1, %mul3A_21 : i32
    %add3A_23 = arith.constant 384 : i32
    %add3A_24 = arith.addi %mul3A_22, %add3A_23 : i32
    "tpu.region"() ({
      %run_scoped3A = tpu.sem_alloc : memref<!tpu.dma_semaphore, #tpu.memory_space<semaphore_mem>>
      %dma_start3A = arith.constant 0 : i32
      %dma_start3A_51 = tpu.memref_slice %arg6[%add3A_24, %dma_start3A] : memref<10240x128xf32, #tpu.memory_space<vmem_shared>> -> memref<128x128xf32, #tpu.memory_space<vmem_shared>>
      %dma_start3A_52 = arith.constant 0 : i32
      %dma_start3A_53 = tpu.memref_slice %arg6[%add3A_24, %dma_start3A_52] : memref<10240x128xf32, #tpu.memory_space<vmem_shared>> -> memref<128x128xf32, #tpu.memory_space<vmem_shared>>
      tpu.enqueue_dma source(%arg5 : memref<128x128xf32, #tpu.memory_space<vmem>>) target(%dma_start3A_53 : memref<128x128xf32, #tpu.memory_space<vmem_shared>>) target_semaphore(%run_scoped3A : memref<!tpu.dma_semaphore, #tpu.memory_space<semaphore_mem>>)
      %dma_wait3A = arith.constant 0 : i32
      %dma_wait3A_54 = tpu.memref_slice %arg6[%add3A_24, %dma_wait3A] : memref<10240x128xf32, #tpu.memory_space<vmem_shared>> -> memref<128x128xf32, #tpu.memory_space<vmem_shared>>
      %dma_wait3A_55 = arith.constant 0 : i32
      %dma_wait3A_56 = tpu.memref_slice %arg6[%add3A_24, %dma_wait3A_55] : memref<10240x128xf32, #tpu.memory_space<vmem_shared>> -> memref<128x128xf32, #tpu.memory_space<vmem_shared>>
      tpu.wait_dma2 semaphore(%run_scoped3A : memref<!tpu.dma_semaphore, #tpu.memory_space<semaphore_mem>>) src(%arg5 : memref<128x128xf32, #tpu.memory_space<vmem>>) dst(%dma_wait3A_56 : memref<128x128xf32, #tpu.memory_space<vmem_shared>>)
      tpu.yield
    }) : () -> ()
    %mul3A_25 = arith.constant 640 : i32
    %mul3A_26 = arith.muli %arg1, %mul3A_25 : i32
    %add3A_27 = arith.constant 512 : i32
    %add3A_28 = arith.addi %mul3A_26, %add3A_27 : i32
    "tpu.region"() ({
      %run_scoped3A = tpu.sem_alloc : memref<!tpu.dma_semaphore, #tpu.memory_space<semaphore_mem>>
      %dma_start3A = arith.constant 0 : i32
      %dma_start3A_51 = tpu.memref_slice %arg6[%add3A_28, %dma_start3A] : memref<10240x128xf32, #tpu.memory_space<vmem_shared>> -> memref<128x128xf32, #tpu.memory_space<vmem_shared>>
      %dma_start3A_52 = arith.constant 0 : i32
      %dma_start3A_53 = tpu.memref_slice %arg6[%add3A_28, %dma_start3A_52] : memref<10240x128xf32, #tpu.memory_space<vmem_shared>> -> memref<128x128xf32, #tpu.memory_space<vmem_shared>>
      tpu.enqueue_dma source(%arg5 : memref<128x128xf32, #tpu.memory_space<vmem>>) target(%dma_start3A_53 : memref<128x128xf32, #tpu.memory_space<vmem_shared>>) target_semaphore(%run_scoped3A : memref<!tpu.dma_semaphore, #tpu.memory_space<semaphore_mem>>)
      %dma_wait3A = arith.constant 0 : i32
      %dma_wait3A_54 = tpu.memref_slice %arg6[%add3A_28, %dma_wait3A] : memref<10240x128xf32, #tpu.memory_space<vmem_shared>> -> memref<128x128xf32, #tpu.memory_space<vmem_shared>>
      %dma_wait3A_55 = arith.constant 0 : i32
      %dma_wait3A_56 = tpu.memref_slice %arg6[%add3A_28, %dma_wait3A_55] : memref<10240x128xf32, #tpu.memory_space<vmem_shared>> -> memref<128x128xf32, #tpu.memory_space<vmem_shared>>
      tpu.wait_dma2 semaphore(%run_scoped3A : memref<!tpu.dma_semaphore, #tpu.memory_space<semaphore_mem>>) src(%arg5 : memref<128x128xf32, #tpu.memory_space<vmem>>) dst(%dma_wait3A_56 : memref<128x128xf32, #tpu.memory_space<vmem_shared>>)
      tpu.yield
    }) : () -> ()
    %scan3A_29 = arith.constant 0 : i32
    %scan3A_30 = arith.constant 0 : i32
    %scan3A_31 = arith.constant 128 : i32
    %scan3A_32 = arith.addi %scan3A_30, %scan3A_31 : i32
    %scan3A_33 = arith.constant 1 : i32
    %scan3A_34 = scf.for %scan3A_51 = %scan3A_30 to %scan3A_32 step %scan3A_33 iter_args(%scan3A_52 = %scan3A_29) -> (i32)  : i32 {
      %broadcast_in_dim3A = arith.constant 1.000000e+00 : f32
      %broadcast_in_dim3A_53 = vector.broadcast %broadcast_in_dim3A : f32 to vector<16xf32>
      %swap3A = arith.index_cast %scan3A_51 : i32 to index
      %swap3A_54 = arith.constant 0 : index
      %swap3A_55 = tpu.vector_load %arg5[%swap3A, %swap3A_54] {strides = array<i32>} : memref<128x128xf32, #tpu.memory_space<vmem>>, vector<1x16xf32>,
      %swap3A_56 = vector.shape_cast %swap3A_55 : vector<1x16xf32> to vector<16xf32>
      %swap3A_57 = vector.shape_cast %broadcast_in_dim3A_53 : vector<16xf32> to vector<1x16xf32>
      tpu.vector_store %arg5[%swap3A, %swap3A_54], %swap3A_57 {strides = array<i32>} : memref<128x128xf32, #tpu.memory_space<vmem>>, vector<1x16xf32>,
      %broadcast_in_dim3A_58 = arith.constant 1.000000e+00 : f32
      %broadcast_in_dim3A_59 = vector.broadcast %broadcast_in_dim3A_58 : f32 to vector<16xf32>
      %swap3A_60 = arith.index_cast %scan3A_51 : i32 to index
      %swap3A_61 = arith.constant 16 : index
      %swap3A_62 = tpu.vector_load %arg5[%swap3A_60, %swap3A_61] {strides = array<i32>} : memref<128x128xf32, #tpu.memory_space<vmem>>, vector<1x16xf32>,
      %swap3A_63 = vector.shape_cast %swap3A_62 : vector<1x16xf32> to vector<16xf32>
      %swap3A_64 = vector.shape_cast %broadcast_in_dim3A_59 : vector<16xf32> to vector<1x16xf32>
      tpu.vector_store %arg5[%swap3A_60, %swap3A_61], %swap3A_64 {strides = array<i32>} : memref<128x128xf32, #tpu.memory_space<vmem>>, vector<1x16xf32>,
      %broadcast_in_dim3A_65 = arith.constant 1.000000e+00 : f32
      %broadcast_in_dim3A_66 = vector.broadcast %broadcast_in_dim3A_65 : f32 to vector<16xf32>
      %swap3A_67 = arith.index_cast %scan3A_51 : i32 to index
      %swap3A_68 = arith.constant 32 : index
      %swap3A_69 = tpu.vector_load %arg5[%swap3A_67, %swap3A_68] {strides = array<i32>} : memref<128x128xf32, #tpu.memory_space<vmem>>, vector<1x16xf32>,
      %swap3A_70 = vector.shape_cast %swap3A_69 : vector<1x16xf32> to vector<16xf32>
      %swap3A_71 = vector.shape_cast %broadcast_in_dim3A_66 : vector<16xf32> to vector<1x16xf32>
      tpu.vector_store %arg5[%swap3A_67, %swap3A_68], %swap3A_71 {strides = array<i32>} : memref<128x128xf32, #tpu.memory_space<vmem>>, vector<1x16xf32>,
      %broadcast_in_dim3A_72 = arith.constant 1.000000e+00 : f32
      %broadcast_in_dim3A_73 = vector.broadcast %broadcast_in_dim3A_72 : f32 to vector<16xf32>
      %swap3A_74 = arith.index_cast %scan3A_51 : i32 to index
      %swap3A_75 = arith.constant 48 : index
      %swap3A_76 = tpu.vector_load %arg5[%swap3A_74, %swap3A_75] {strides = array<i32>} : memref<128x128xf32, #tpu.memory_space<vmem>>, vector<1x16xf32>,
      %swap3A_77 = vector.shape_cast %swap3A_76 : vector<1x16xf32> to vector<16xf32>
      %swap3A_78 = vector.shape_cast %broadcast_in_dim3A_73 : vector<16xf32> to vector<1x16xf32>
      tpu.vector_store %arg5[%swap3A_74, %swap3A_75], %swap3A_78 {strides = array<i32>} : memref<128x128xf32, #tpu.memory_space<vmem>>, vector<1x16xf32>,
      %broadcast_in_dim3A_79 = arith.constant 1.000000e+00 : f32
      %broadcast_in_dim3A_80 = vector.broadcast %broadcast_in_dim3A_79 : f32 to vector<16xf32>
      %swap3A_81 = arith.index_cast %scan3A_51 : i32 to index
      %swap3A_82 = arith.constant 64 : index
      %swap3A_83 = tpu.vector_load %arg5[%swap3A_81, %swap3A_82] {strides = array<i32>} : memref<128x128xf32, #tpu.memory_space<vmem>>, vector<1x16xf32>,
      %swap3A_84 = vector.shape_cast %swap3A_83 : vector<1x16xf32> to vector<16xf32>
      %swap3A_85 = vector.shape_cast %broadcast_in_dim3A_80 : vector<16xf32> to vector<1x16xf32>
      tpu.vector_store %arg5[%swap3A_81, %swap3A_82], %swap3A_85 {strides = array<i32>} : memref<128x128xf32, #tpu.memory_space<vmem>>, vector<1x16xf32>,
      %broadcast_in_dim3A_86 = arith.constant 1.000000e+00 : f32
      %broadcast_in_dim3A_87 = vector.broadcast %broadcast_in_dim3A_86 : f32 to vector<16xf32>
      %swap3A_88 = arith.index_cast %scan3A_51 : i32 to index
      %swap3A_89 = arith.constant 80 : index
      %swap3A_90 = tpu.vector_load %arg5[%swap3A_88, %swap3A_89] {strides = array<i32>} : memref<128x128xf32, #tpu.memory_space<vmem>>, vector<1x16xf32>,
      %swap3A_91 = vector.shape_cast %swap3A_90 : vector<1x16xf32> to vector<16xf32>
      %swap3A_92 = vector.shape_cast %broadcast_in_dim3A_87 : vector<16xf32> to vector<1x16xf32>
      tpu.vector_store %arg5[%swap3A_88, %swap3A_89], %swap3A_92 {strides = array<i32>} : memref<128x128xf32, #tpu.memory_space<vmem>>, vector<1x16xf32>,
      %broadcast_in_dim3A_93 = arith.constant 1.000000e+00 : f32
      %broadcast_in_dim3A_94 = vector.broadcast %broadcast_in_dim3A_93 : f32 to vector<16xf32>
      %swap3A_95 = arith.index_cast %scan3A_51 : i32 to index
      %swap3A_96 = arith.constant 96 : index
      %swap3A_97 = tpu.vector_load %arg5[%swap3A_95, %swap3A_96] {strides = array<i32>} : memref<128x128xf32, #tpu.memory_space<vmem>>, vector<1x16xf32>,
      %swap3A_98 = vector.shape_cast %swap3A_97 : vector<1x16xf32> to vector<16xf32>
      %swap3A_99 = vector.shape_cast %broadcast_in_dim3A_94 : vector<16xf32> to vector<1x16xf32>
      tpu.vector_store %arg5[%swap3A_95, %swap3A_96], %swap3A_99 {strides = array<i32>} : memref<128x128xf32, #tpu.memory_space<vmem>>, vector<1x16xf32>,
      %broadcast_in_dim3A_100 = arith.constant 1.000000e+00 : f32
      %broadcast_in_dim3A_101 = vector.broadcast %broadcast_in_dim3A_100 : f32 to vector<16xf32>
      %swap3A_102 = arith.index_cast %scan3A_51 : i32 to index
      %swap3A_103 = arith.constant 112 : index
      %swap3A_104 = tpu.vector_load %arg5[%swap3A_102, %swap3A_103] {strides = array<i32>} : memref<128x128xf32, #tpu.memory_space<vmem>>, vector<1x16xf32>,
      %swap3A_105 = vector.shape_cast %swap3A_104 : vector<1x16xf32> to vector<16xf32>
      %swap3A_106 = vector.shape_cast %broadcast_in_dim3A_101 : vector<16xf32> to vector<1x16xf32>
      tpu.vector_store %arg5[%swap3A_102, %swap3A_103], %swap3A_106 {strides = array<i32>} : memref<128x128xf32, #tpu.memory_space<vmem>>, vector<1x16xf32>,
      %scan3A_107 = arith.constant 0 : i32
      scf.yield %scan3A_107 : i32
    }
    %scan3A_35 = arith.constant 128 : i32
    %barrier3A = arith.constant 0 : index
    tpu.barrier barrier_id(%barrier3A)
    %scan3A_36 = arith.constant 0 : i32
    %scan3A_37 = arith.constant 0 : i32
    %scan3A_38 = arith.constant 80 : i32
    %scan3A_39 = arith.addi %scan3A_37, %scan3A_38 : i32
    %scan3A_40 = arith.constant 1 : i32
    %scan3A_41 = scf.for %scan3A_51 = %scan3A_37 to %scan3A_39 step %scan3A_40 iter_args(%scan3A_52 = %scan3A_36) -> (i32)  : i32 {
      "tpu.region"() ({
        %run_scoped3A = tpu.sem_alloc : memref<!tpu.dma_semaphore, #tpu.memory_space<semaphore_mem>>
        %dma_start3A = arith.constant 0 : i32
        %dma_start3A_54 = tpu.memref_slice %arg4[%scan3A_51, %dma_start3A] : memref<80x128xi32, #tpu.memory_space<vmem>> -> memref<1x128xi32, #tpu.memory_space<vmem>>
        %dma_start3A_55 = tpu.memref_squeeze %dma_start3A_54 : memref<1x128xi32, #tpu.memory_space<vmem>> -> memref<128xi32, #tpu.memory_space<vmem>>
        %dma_start3A_56 = arith.constant 0 : i32
        %dma_start3A_57 = arith.constant 0 : i32
        %dma_start3A_58 = tpu.memref_slice %arg6[%dma_start3A_56, %dma_start3A_57] : memref<10240x128xf32, #tpu.memory_space<vmem_shared>> -> memref<10240x128xf32, #tpu.memory_space<vmem_shared>>
        tpu.enqueue_indirect_dma source(%arg5 : memref<128x128xf32, #tpu.memory_space<vmem>>) target(%dma_start3A_58 : memref<10240x128xf32, #tpu.memory_space<vmem_shared>>) offsets(%dma_start3A_55 : memref<128xi32, #tpu.memory_space<vmem>>) semaphore(%run_scoped3A : memref<!tpu.dma_semaphore, #tpu.memory_space<semaphore_mem>>) {add = true}
        %dma_wait3A = arith.constant 0 : i32
        %dma_wait3A_59 = tpu.memref_slice %arg4[%scan3A_51, %dma_wait3A] : memref<80x128xi32, #tpu.memory_space<vmem>> -> memref<1x128xi32, #tpu.memory_space<vmem>>
        %dma_wait3A_60 = tpu.memref_squeeze %dma_wait3A_59 : memref<1x128xi32, #tpu.memory_space<vmem>> -> memref<128xi32, #tpu.memory_space<vmem>>
        %dma_wait3A_61 = arith.constant 0 : i32
        %dma_wait3A_62 = arith.constant 0 : i32
        %dma_wait3A_63 = tpu.memref_slice %arg6[%dma_wait3A_61, %dma_wait3A_62] : memref<10240x128xf32, #tpu.memory_space<vmem_shared>> -> memref<10240x128xf32, #tpu.memory_space<vmem_shared>>
        tpu.wait_indirect_dma semaphore(%run_scoped3A : memref<!tpu.dma_semaphore, #tpu.memory_space<semaphore_mem>>) src(%arg5 : memref<128x128xf32, #tpu.memory_space<vmem>>) dst(%dma_wait3A_63 : memref<10240x128xf32, #tpu.memory_space<vmem_shared>>)
        tpu.yield
      }) : () -> ()
      %scan3A_53 = arith.constant 0 : i32
      scf.yield %scan3A_53 : i32
    }
    %scan3A_42 = arith.constant 80 : i32
    %barrier3A_43 = arith.constant 0 : index
    tpu.barrier barrier_id(%barrier3A_43)
    %mul3A_44 = arith.constant 640 : i32
    %mul3A_45 = arith.muli %arg1, %mul3A_44 : i32
    %mul3A_46 = arith.constant 10240 : i32
    %mul3A_47 = arith.muli %arg0, %mul3A_46 : i32
    %mul3A_48 = arith.constant 640 : i32
    %mul3A_49 = arith.muli %arg1, %mul3A_48 : i32
    %add3A_50 = arith.addi %mul3A_47, %mul3A_49 : i32
    "tpu.region"() ({
      %run_scoped3A = tpu.sem_alloc : memref<!tpu.dma_semaphore, #tpu.memory_space<semaphore_mem>>
      %dma_start3A = arith.constant 0 : i32
      %dma_start3A_51 = tpu.memref_slice %arg3[%add3A_50, %dma_start3A] : memref<20480x128xf32, #tpu.memory_space<hbm>> -> memref<640x128xf32, #tpu.memory_space<hbm>>
      %dma_start3A_52 = arith.constant 0 : i32
      %dma_start3A_53 = tpu.memref_slice %arg6[%mul3A_45, %dma_start3A_52] : memref<10240x128xf32, #tpu.memory_space<vmem_shared>> -> memref<640x128xf32, #tpu.memory_space<vmem_shared>>
      tpu.enqueue_dma source(%dma_start3A_53 : memref<640x128xf32, #tpu.memory_space<vmem_shared>>) target(%dma_start3A_51 : memref<640x128xf32, #tpu.memory_space<hbm>>) target_semaphore(%run_scoped3A : memref<!tpu.dma_semaphore, #tpu.memory_space<semaphore_mem>>)
      %dma_wait3A = arith.constant 0 : i32
      %dma_wait3A_54 = tpu.memref_slice %arg3[%add3A_50, %dma_wait3A] : memref<20480x128xf32, #tpu.memory_space<hbm>> -> memref<640x128xf32, #tpu.memory_space<hbm>>
      %dma_wait3A_55 = arith.constant 0 : i32
      %dma_wait3A_56 = tpu.memref_slice %arg6[%mul3A_45, %dma_wait3A_55] : memref<10240x128xf32, #tpu.memory_space<vmem_shared>> -> memref<640x128xf32, #tpu.memory_space<vmem_shared>>
      tpu.wait_dma2 semaphore(%run_scoped3A : memref<!tpu.dma_semaphore, #tpu.memory_space<semaphore_mem>>) src(%dma_wait3A_56 : memref<640x128xf32, #tpu.memory_space<vmem_shared>>) dst(%dma_wait3A_54 : memref<640x128xf32, #tpu.memory_space<hbm>>)
      tpu.yield
    }) : () -> ()
    return
  }
}

module attributes {stable_mosaic.version = 14 : i64} {
  func.func @body(%arg0: memref<10000x128xf32, #tpu.memory_space<vmem>>, %arg1: memref<128x256xf32, #tpu.memory_space<vmem>>, %arg2: memref<10000x256xf32, #tpu.memory_space<vmem>>) attributes {dimension_semantics = [], scalar_prefetch = 0 : i64, scratch_operands = 0 : i64, tpu.core_type = #tpu.core_type<tc>} {
    %get3A = arith.constant 0 : index
    %get3A_0 = arith.constant 0 : index
    %get3A_1 = vector.load %arg0[%get3A, %get3A_0] : memref<10000x128xf32, #tpu.memory_space<vmem>>, vector<10000x128xf32>
    %get3A_2 = arith.constant 0 : index
    %get3A_3 = arith.constant 0 : index
    %get3A_4 = vector.load %arg1[%get3A_2, %get3A_3] : memref<128x256xf32, #tpu.memory_space<vmem>>, vector<128x256xf32>
    %dot_general3A = arith.constant dense<0.000000e+00> : vector<10000x256xf32>
    %dot_general3A_5 = tpu.matmul %get3A_1, %get3A_4, %dot_general3A {dimension_numbers = #tpu.dot_dimension_numbers<[1], [0], [0], [1], [0, 0, 1, 1], [], []>, transpose_lhs_hint = false} : vector<10000x128xf32>, vector<128x256xf32>, vector<10000x256xf32> -> vector<10000x256xf32>
    %swap3A = arith.constant 0 : index
    %swap3A_6 = arith.constant 0 : index
    %swap3A_7 = vector.load %arg2[%swap3A, %swap3A_6] : memref<10000x256xf32, #tpu.memory_space<vmem>>, vector<10000x256xf32>
    tpu.vector_store %arg2[%swap3A, %swap3A_6], %dot_general3A_5 {strides = array<i32>} : memref<10000x256xf32, #tpu.memory_space<vmem>>, vector<10000x256xf32>,
    return
  }
}

module attributes {stable_mosaic.version = 14 : i64} {
  func.func @body(%arg0: memref<20480x128xf32, #tpu.memory_space<vmem>>, %arg1: memref<10000x256xf32, #tpu.memory_space<vmem>>, %arg2: memref<10000x256xf32, #tpu.memory_space<vmem>>, %arg3: memref<10000x1xf32, #tpu.memory_space<vmem>>) attributes {dimension_semantics = [], scalar_prefetch = 0 : i64, scratch_operands = 0 : i64, tpu.core_type = #tpu.core_type<tc>} {
    %get3A = arith.constant 0 : index
    %get3A_0 = arith.constant 0 : index
    %get3A_1 = vector.load %arg0[%get3A, %get3A_0] : memref<20480x128xf32, #tpu.memory_space<vmem>>, vector<10000x1xf32>
    %get3A_2 = arith.constant 10240 : index
    %get3A_3 = arith.constant 0 : index
    %get3A_4 = vector.load %arg0[%get3A_2, %get3A_3] : memref<20480x128xf32, #tpu.memory_space<vmem>>, vector<10000x1xf32>
    %add3A = arith.addf %get3A_1, %get3A_4 : vector<10000x1xf32>
    %add3A_5 = arith.constant 1.000000e+00 : f32
    %add3A_6 = vector.broadcast %add3A_5 : f32 to vector<10000x1xf32>
    %add3A_7 = arith.addf %add3A, %add3A_6 : vector<10000x1xf32>
    %rsqrt3A = math.rsqrt %add3A_7 : vector<10000x1xf32>
    %get3A_8 = arith.constant 0 : index
    %get3A_9 = arith.constant 0 : index
    %get3A_10 = vector.load %arg1[%get3A_8, %get3A_9] : memref<10000x256xf32, #tpu.memory_space<vmem>>, vector<10000x256xf32>
    %mul3A = vector.broadcast %rsqrt3A : vector<10000x1xf32> to vector<10000x256xf32>
    %mul3A_11 = arith.mulf %get3A_10, %mul3A : vector<10000x256xf32>
    %swap3A = arith.constant 0 : index
    %swap3A_12 = arith.constant 0 : index
    %swap3A_13 = vector.load %arg2[%swap3A, %swap3A_12] : memref<10000x256xf32, #tpu.memory_space<vmem>>, vector<10000x256xf32>
    tpu.vector_store %arg2[%swap3A, %swap3A_12], %mul3A_11 {strides = array<i32>} : memref<10000x256xf32, #tpu.memory_space<vmem>>, vector<10000x256xf32>,
    %swap3A_14 = arith.constant 0 : index
    %swap3A_15 = arith.constant 0 : index
    %swap3A_16 = vector.load %arg3[%swap3A_14, %swap3A_15] : memref<10000x1xf32, #tpu.memory_space<vmem>>, vector<10000x1xf32>
    tpu.vector_store %arg3[%swap3A_14, %swap3A_15], %rsqrt3A {strides = array<i32>} : memref<10000x1xf32, #tpu.memory_space<vmem>>, vector<10000x1xf32>,
    return
  }
}

module attributes {stable_mosaic.version = 14 : i64} {
  func.func @body(%arg0: memref<20480x128xf32, #tpu.memory_space<vmem>>, %arg1: memref<10000x256xf32, #tpu.memory_space<vmem>>, %arg2: memref<10000x1xf32, #tpu.memory_space<vmem>>, %arg3: memref<10000x1xi32, #tpu.memory_space<vmem>>, %arg4: memref<1x256xf32, #tpu.memory_space<vmem>>, %arg5: memref<1x256xf32, #tpu.memory_space<vmem>>, %arg6: memref<1x256xf32, #tpu.memory_space<vmem>>, %arg7: memref<256x128xf32, #tpu.memory_space<vmem>>, %arg8: memref<1x128xf32, #tpu.memory_space<vmem>>, %arg9: memref<1x128xf32, #tpu.memory_space<vmem>>, %arg10: memref<1x128xf32, #tpu.memory_space<vmem>>, %arg11: memref<128x64xf32, #tpu.memory_space<vmem>>, %arg12: memref<1x64xf32, #tpu.memory_space<vmem>>, %arg13: memref<1x64xf32, #tpu.memory_space<vmem>>, %arg14: memref<1x64xf32, #tpu.memory_space<vmem>>, %arg15: memref<64x64xf32, #tpu.memory_space<vmem>>) attributes {dimension_semantics = [], scalar_prefetch = 0 : i64, scratch_operands = 0 : i64, tpu.core_type = #tpu.core_type<tc>} {
    %get3A = arith.constant 0 : index
    %get3A_0 = arith.constant 0 : index
    %get3A_1 = vector.load %arg0[%get3A, %get3A_0] : memref<20480x128xf32, #tpu.memory_space<vmem>>, vector<10000x128xf32>
    %get3A_2 = arith.constant 10240 : index
    %get3A_3 = arith.constant 0 : index
    %get3A_4 = vector.load %arg0[%get3A_2, %get3A_3] : memref<20480x128xf32, #tpu.memory_space<vmem>>, vector<10000x128xf32>
    %concatenate3A = tpu.concatenate %get3A_1, %get3A_4 in 1 : vector<10000x128xf32>, vector<10000x128xf32> -> vector<10000x256xf32>
    %get3A_5 = arith.constant 0 : index
    %get3A_6 = arith.constant 0 : index
    %get3A_7 = vector.load %arg2[%get3A_5, %get3A_6] : memref<10000x1xf32, #tpu.memory_space<vmem>>, vector<10000x1xf32>
    %get3A_8 = arith.constant 0 : index
    %get3A_9 = arith.constant 0 : index
    %get3A_10 = vector.load %arg1[%get3A_8, %get3A_9] : memref<10000x256xf32, #tpu.memory_space<vmem>>, vector<10000x256xf32>
    %add3A = arith.addf %concatenate3A, %get3A_10 : vector<10000x256xf32>
    %mul3A = vector.broadcast %get3A_7 : vector<10000x1xf32> to vector<10000x256xf32>
    %mul3A_11 = arith.mulf %mul3A, %add3A : vector<10000x256xf32>
    %get3A_12 = arith.constant 0 : index
    %get3A_13 = arith.constant 0 : index
    %get3A_14 = vector.load %arg4[%get3A_12, %get3A_13] : memref<1x256xf32, #tpu.memory_space<vmem>>, vector<1x256xf32>
    %add3A_15 = vector.broadcast %get3A_14 : vector<1x256xf32> to vector<10000x256xf32>
    %add3A_16 = arith.addf %mul3A_11, %add3A_15 : vector<10000x256xf32>
    %reduce_sum3A = arith.constant dense<0.000000e+00> : vector<256xf32>
    %reduce_sum3A_17 = vector.multi_reduction <add>, %add3A_16, %reduce_sum3A [0] : vector<10000x256xf32> to vector<256xf32>
    %broadcast_in_dim3A = vector.shape_cast %reduce_sum3A_17 : vector<256xf32> to vector<1x256xf32>
    %div3A = arith.constant 1.000000e+04 : f32
    %div3A_18 = vector.broadcast %div3A : f32 to vector<1x256xf32>
    %div3A_19 = arith.divf %broadcast_in_dim3A, %div3A_18 : vector<1x256xf32>
    %sub3A = vector.broadcast %div3A_19 : vector<1x256xf32> to vector<10000x256xf32>
    %sub3A_20 = arith.subf %add3A_16, %sub3A : vector<10000x256xf32>
    %integer_pow3A = arith.mulf %sub3A_20, %sub3A_20 : vector<10000x256xf32>
    %reduce_sum3A_21 = arith.constant dense<0.000000e+00> : vector<256xf32>
    %reduce_sum3A_22 = vector.multi_reduction <add>, %integer_pow3A, %reduce_sum3A_21 [0] : vector<10000x256xf32> to vector<256xf32>
    %broadcast_in_dim3A_23 = vector.shape_cast %reduce_sum3A_22 : vector<256xf32> to vector<1x256xf32>
    %div3A_24 = arith.constant 1.000000e+04 : f32
    %div3A_25 = vector.broadcast %div3A_24 : f32 to vector<1x256xf32>
    %div3A_26 = arith.divf %broadcast_in_dim3A_23, %div3A_25 : vector<1x256xf32>
    %sub3A_27 = vector.broadcast %div3A_19 : vector<1x256xf32> to vector<10000x256xf32>
    %sub3A_28 = arith.subf %add3A_16, %sub3A_27 : vector<10000x256xf32>
    %add3A_29 = arith.constant 9.99999974E-6 : f32
    %add3A_30 = vector.broadcast %add3A_29 : f32 to vector<1x256xf32>
    %add3A_31 = arith.addf %div3A_26, %add3A_30 : vector<1x256xf32>
    %rsqrt3A = math.rsqrt %add3A_31 : vector<1x256xf32>
    %mul3A_32 = vector.broadcast %rsqrt3A : vector<1x256xf32> to vector<10000x256xf32>
    %mul3A_33 = arith.mulf %sub3A_28, %mul3A_32 : vector<10000x256xf32>
    %get3A_34 = arith.constant 0 : index
    %get3A_35 = arith.constant 0 : index
    %get3A_36 = vector.load %arg5[%get3A_34, %get3A_35] : memref<1x256xf32, #tpu.memory_space<vmem>>, vector<1x256xf32>
    %mul3A_37 = vector.broadcast %get3A_36 : vector<1x256xf32> to vector<10000x256xf32>
    %mul3A_38 = arith.mulf %mul3A_33, %mul3A_37 : vector<10000x256xf32>
    %get3A_39 = arith.constant 0 : index
    %get3A_40 = arith.constant 0 : index
    %get3A_41 = vector.load %arg6[%get3A_39, %get3A_40] : memref<1x256xf32, #tpu.memory_space<vmem>>, vector<1x256xf32>
    %add3A_42 = vector.broadcast %get3A_41 : vector<1x256xf32> to vector<10000x256xf32>
    %add3A_43 = arith.addf %mul3A_38, %add3A_42 : vector<10000x256xf32>
    %max3A = arith.constant 0.000000e+00 : f32
    %max3A_44 = vector.broadcast %max3A : f32 to vector<10000x256xf32>
    %max3A_45 = arith.maximumf %add3A_43, %max3A_44 : vector<10000x256xf32>
    %get3A_46 = arith.constant 0 : index
    %get3A_47 = arith.constant 0 : index
    %get3A_48 = vector.load %arg3[%get3A_46, %get3A_47] : memref<10000x1xi32, #tpu.memory_space<vmem>>, vector<10000x1xi32>
    %iota3A = tpu.iota {dimensions = array<i32: 1>} : vector<10000x64xi32>
    %eq3A = vector.broadcast %get3A_48 : vector<10000x1xi32> to vector<10000x64xi32>
    %eq3A_49 = arith.cmpi eq, %eq3A, %iota3A : vector<10000x64xi32>
    %convert_element_type3A = arith.extui %eq3A_49 : vector<10000x64xi1> to vector<10000x64xi32>
    %convert_element_type3A_50 = arith.sitofp %convert_element_type3A : vector<10000x64xi32> to vector<10000x64xf32>
    %dot_general3A = arith.constant dense<0.000000e+00> : vector<64x256xf32>
    %dot_general3A_51 = tpu.matmul %convert_element_type3A_50, %max3A_45, %dot_general3A {dimension_numbers = #tpu.dot_dimension_numbers<[0], [0], [1], [1], [0, 1, 1, 1], [], []>, precision = #tpu.contract_precision<fp32>, transpose_lhs_hint = false} : vector<10000x64xf32>, vector<10000x256xf32>, vector<64x256xf32> -> vector<64x256xf32>
    %broadcast_in_dim3A_52 = arith.constant 1.000000e+00 : f32
    %broadcast_in_dim3A_53 = vector.broadcast %broadcast_in_dim3A_52 : f32 to vector<10000x1xf32>
    %dot_general3A_54 = arith.constant dense<0.000000e+00> : vector<64x1xf32>
    %dot_general3A_55 = tpu.matmul %convert_element_type3A_50, %broadcast_in_dim3A_53, %dot_general3A_54 {dimension_numbers = #tpu.dot_dimension_numbers<[0], [0], [1], [1], [0, 1, 1, 1], [], []>, precision = #tpu.contract_precision<fp32>, transpose_lhs_hint = false} : vector<10000x64xf32>, vector<10000x1xf32>, vector<64x1xf32> -> vector<64x1xf32>
    %max3A_56 = arith.constant 1.000000e+00 : f32
    %max3A_57 = vector.broadcast %max3A_56 : f32 to vector<64x1xf32>
    %max3A_58 = arith.maximumf %dot_general3A_55, %max3A_57 : vector<64x1xf32>
    %div3A_59 = vector.broadcast %max3A_58 : vector<64x1xf32> to vector<64x256xf32>
    %div3A_60 = arith.divf %dot_general3A_51, %div3A_59 : vector<64x256xf32>
    %get3A_61 = arith.constant 0 : index
    %get3A_62 = arith.constant 0 : index
    %get3A_63 = vector.load %arg7[%get3A_61, %get3A_62] : memref<256x128xf32, #tpu.memory_space<vmem>>, vector<256x128xf32>
    %dot_general3A_64 = arith.constant dense<0.000000e+00> : vector<64x128xf32>
    %dot_general3A_65 = tpu.matmul %div3A_60, %get3A_63, %dot_general3A_64 {dimension_numbers = #tpu.dot_dimension_numbers<[1], [0], [0], [1], [0, 0, 1, 1], [], []>, transpose_lhs_hint = false} : vector<64x256xf32>, vector<256x128xf32>, vector<64x128xf32> -> vector<64x128xf32>
    %get3A_66 = arith.constant 0 : index
    %get3A_67 = arith.constant 0 : index
    %get3A_68 = vector.load %arg8[%get3A_66, %get3A_67] : memref<1x128xf32, #tpu.memory_space<vmem>>, vector<1x128xf32>
    %add3A_69 = vector.broadcast %get3A_68 : vector<1x128xf32> to vector<64x128xf32>
    %add3A_70 = arith.addf %dot_general3A_65, %add3A_69 : vector<64x128xf32>
    %reduce_sum3A_71 = arith.constant dense<0.000000e+00> : vector<128xf32>
    %reduce_sum3A_72 = vector.multi_reduction <add>, %add3A_70, %reduce_sum3A_71 [0] : vector<64x128xf32> to vector<128xf32>
    %broadcast_in_dim3A_73 = vector.shape_cast %reduce_sum3A_72 : vector<128xf32> to vector<1x128xf32>
    %div3A_74 = arith.constant 6.400000e+01 : f32
    %div3A_75 = vector.broadcast %div3A_74 : f32 to vector<1x128xf32>
    %div3A_76 = arith.divf %broadcast_in_dim3A_73, %div3A_75 : vector<1x128xf32>
    %sub3A_77 = vector.broadcast %div3A_76 : vector<1x128xf32> to vector<64x128xf32>
    %sub3A_78 = arith.subf %add3A_70, %sub3A_77 : vector<64x128xf32>
    %integer_pow3A_79 = arith.mulf %sub3A_78, %sub3A_78 : vector<64x128xf32>
    %reduce_sum3A_80 = arith.constant dense<0.000000e+00> : vector<128xf32>
    %reduce_sum3A_81 = vector.multi_reduction <add>, %integer_pow3A_79, %reduce_sum3A_80 [0] : vector<64x128xf32> to vector<128xf32>
    %broadcast_in_dim3A_82 = vector.shape_cast %reduce_sum3A_81 : vector<128xf32> to vector<1x128xf32>
    %div3A_83 = arith.constant 6.400000e+01 : f32
    %div3A_84 = vector.broadcast %div3A_83 : f32 to vector<1x128xf32>
    %div3A_85 = arith.divf %broadcast_in_dim3A_82, %div3A_84 : vector<1x128xf32>
    %sub3A_86 = vector.broadcast %div3A_76 : vector<1x128xf32> to vector<64x128xf32>
    %sub3A_87 = arith.subf %add3A_70, %sub3A_86 : vector<64x128xf32>
    %add3A_88 = arith.constant 9.99999974E-6 : f32
    %add3A_89 = vector.broadcast %add3A_88 : f32 to vector<1x128xf32>
    %add3A_90 = arith.addf %div3A_85, %add3A_89 : vector<1x128xf32>
    %rsqrt3A_91 = math.rsqrt %add3A_90 : vector<1x128xf32>
    %mul3A_92 = vector.broadcast %rsqrt3A_91 : vector<1x128xf32> to vector<64x128xf32>
    %mul3A_93 = arith.mulf %sub3A_87, %mul3A_92 : vector<64x128xf32>
    %get3A_94 = arith.constant 0 : index
    %get3A_95 = arith.constant 0 : index
    %get3A_96 = vector.load %arg9[%get3A_94, %get3A_95] : memref<1x128xf32, #tpu.memory_space<vmem>>, vector<1x128xf32>
    %mul3A_97 = vector.broadcast %get3A_96 : vector<1x128xf32> to vector<64x128xf32>
    %mul3A_98 = arith.mulf %mul3A_93, %mul3A_97 : vector<64x128xf32>
    %get3A_99 = arith.constant 0 : index
    %get3A_100 = arith.constant 0 : index
    %get3A_101 = vector.load %arg10[%get3A_99, %get3A_100] : memref<1x128xf32, #tpu.memory_space<vmem>>, vector<1x128xf32>
    %add3A_102 = vector.broadcast %get3A_101 : vector<1x128xf32> to vector<64x128xf32>
    %add3A_103 = arith.addf %mul3A_98, %add3A_102 : vector<64x128xf32>
    %max3A_104 = arith.constant 0.000000e+00 : f32
    %max3A_105 = vector.broadcast %max3A_104 : f32 to vector<64x128xf32>
    %max3A_106 = arith.maximumf %add3A_103, %max3A_105 : vector<64x128xf32>
    %get3A_107 = arith.constant 0 : index
    %get3A_108 = arith.constant 0 : index
    %get3A_109 = vector.load %arg11[%get3A_107, %get3A_108] : memref<128x64xf32, #tpu.memory_space<vmem>>, vector<128x64xf32>
    %dot_general3A_110 = arith.constant dense<0.000000e+00> : vector<64x64xf32>
    %dot_general3A_111 = tpu.matmul %max3A_106, %get3A_109, %dot_general3A_110 {dimension_numbers = #tpu.dot_dimension_numbers<[1], [0], [0], [1], [0, 0, 1, 1], [], []>, transpose_lhs_hint = false} : vector<64x128xf32>, vector<128x64xf32>, vector<64x64xf32> -> vector<64x64xf32>
    %get3A_112 = arith.constant 0 : index
    %get3A_113 = arith.constant 0 : index
    %get3A_114 = vector.load %arg12[%get3A_112, %get3A_113] : memref<1x64xf32, #tpu.memory_space<vmem>>, vector<1x64xf32>
    %add3A_115 = vector.broadcast %get3A_114 : vector<1x64xf32> to vector<64x64xf32>
    %add3A_116 = arith.addf %dot_general3A_111, %add3A_115 : vector<64x64xf32>
    %reduce_sum3A_117 = arith.constant dense<0.000000e+00> : vector<64xf32>
    %reduce_sum3A_118 = vector.multi_reduction <add>, %add3A_116, %reduce_sum3A_117 [0] : vector<64x64xf32> to vector<64xf32>
    %broadcast_in_dim3A_119 = vector.shape_cast %reduce_sum3A_118 : vector<64xf32> to vector<1x64xf32>
    %div3A_120 = arith.constant 6.400000e+01 : f32
    %div3A_121 = vector.broadcast %div3A_120 : f32 to vector<1x64xf32>
    %div3A_122 = arith.divf %broadcast_in_dim3A_119, %div3A_121 : vector<1x64xf32>
    %sub3A_123 = vector.broadcast %div3A_122 : vector<1x64xf32> to vector<64x64xf32>
    %sub3A_124 = arith.subf %add3A_116, %sub3A_123 : vector<64x64xf32>
    %integer_pow3A_125 = arith.mulf %sub3A_124, %sub3A_124 : vector<64x64xf32>
    %reduce_sum3A_126 = arith.constant dense<0.000000e+00> : vector<64xf32>
    %reduce_sum3A_127 = vector.multi_reduction <add>, %integer_pow3A_125, %reduce_sum3A_126 [0] : vector<64x64xf32> to vector<64xf32>
    %broadcast_in_dim3A_128 = vector.shape_cast %reduce_sum3A_127 : vector<64xf32> to vector<1x64xf32>
    %div3A_129 = arith.constant 6.400000e+01 : f32
    %div3A_130 = vector.broadcast %div3A_129 : f32 to vector<1x64xf32>
    %div3A_131 = arith.divf %broadcast_in_dim3A_128, %div3A_130 : vector<1x64xf32>
    %sub3A_132 = vector.broadcast %div3A_122 : vector<1x64xf32> to vector<64x64xf32>
    %sub3A_133 = arith.subf %add3A_116, %sub3A_132 : vector<64x64xf32>
    %add3A_134 = arith.constant 9.99999974E-6 : f32
    %add3A_135 = vector.broadcast %add3A_134 : f32 to vector<1x64xf32>
    %add3A_136 = arith.addf %div3A_131, %add3A_135 : vector<1x64xf32>
    %rsqrt3A_137 = math.rsqrt %add3A_136 : vector<1x64xf32>
    %mul3A_138 = vector.broadcast %rsqrt3A_137 : vector<1x64xf32> to vector<64x64xf32>
    %mul3A_139 = arith.mulf %sub3A_133, %mul3A_138 : vector<64x64xf32>
    %get3A_140 = arith.constant 0 : index
    %get3A_141 = arith.constant 0 : index
    %get3A_142 = vector.load %arg13[%get3A_140, %get3A_141] : memref<1x64xf32, #tpu.memory_space<vmem>>, vector<1x64xf32>
    %mul3A_143 = vector.broadcast %get3A_142 : vector<1x64xf32> to vector<64x64xf32>
    %mul3A_144 = arith.mulf %mul3A_139, %mul3A_143 : vector<64x64xf32>
    %get3A_145 = arith.constant 0 : index
    %get3A_146 = arith.constant 0 : index
    %get3A_147 = vector.load %arg14[%get3A_145, %get3A_146] : memref<1x64xf32, #tpu.memory_space<vmem>>, vector<1x64xf32>
    %add3A_148 = vector.broadcast %get3A_147 : vector<1x64xf32> to vector<64x64xf32>
    %add3A_149 = arith.addf %mul3A_144, %add3A_148 : vector<64x64xf32>
    %swap3A = arith.constant 0 : index
    %swap3A_150 = arith.constant 0 : index
    %swap3A_151 = vector.load %arg15[%swap3A, %swap3A_150] : memref<64x64xf32, #tpu.memory_space<vmem>>, vector<64x64xf32>
    tpu.vector_store %arg15[%swap3A, %swap3A_150], %add3A_149 {strides = array<i32>} : memref<64x64xf32, #tpu.memory_space<vmem>>, vector<64x64xf32>,
    return
  }
}

</mosaic_0001>

<sc_bundles>
// kernel: kernel.10.cloned.1.call-start
scs
__scs_entry_jumppad:
0x0: {  	(pc) =	sbr.rel $0x88, $3  }
0x1: {  	(tag) =	ssettag $0x0;
	lr =	simm.s32 $0x1  }
0x2: {  	[smem:$0x3F92] =	sst lr;
	_ =	strace $0xD0000000  }
0x3: {  	_ = 	snop  }
0x4: {  	_ = 	snop  }
0x5: {  	_ = 	snop  }
0x6: {  	_ = 	snop  }
0x7: {  	_ = 	snop  }
__scs_overlays_trampoline_lowered:
0x8: {  	[smem:$0x3FA1] =	sst s0  }
0x9: {  	[smem:$0x3FA2] =	sst s1  }
0xa: {  	[smem:$0x3FA3] =	sst s2  }
0xb: {  	[smem:$0x3FA4] =	sst s3  }
0xc: {  	[smem:$0x3FA5] =	sst s4  }
0xd: {  	[smem:$0x3FA6] =	sst s5  }
0xe: {  	[smem:$0x3FA7] =	sst s6  }
0xf: {  	[smem:$0x3FA8] =	sst s7  }
0x10: {  	[smem:$0x3FA9] =	sst s8  }
0x11: {  	[smem:$0x3FAA] =	sst s9;
	s0 =	simm.s32 @!p0 $0x0  }
0x12: {  	s1 =	sld [smem:$0x3F90];
	s0 =	simm.s32 @p0 $0x1  }
0x13: {  	[smem:$0x3FAB] =	sst s0;
	s0 =	simm.s32 @!p1 $0x0  }
0x14: {  	s2 =	sld [smem:$0x3F8F];
	s0 =	simm.s32 @p1 $0x1  }
0x15: {  	[smem:$0x3FAC] =	sst s0;
	s0 =	simm.s32 @!p2 $0x0  }
0x16: {  	s3 =	sld [smem:$0x3FDB];
	s0 =	simm.s32 @p2 $0x1  }
0x17: {  	s4 =	simm.s32 $0x1BF5;
	[smem:$0x3FAE] =	sst s0  }
0x18: {  	s0 =	sld [smem:$0x3F91];
	_ =	swait.ge [sflag:s4], $0x0  }
0x19: {  	s7 =	sld [smem:$0x3F92]  }
0x1a: {  	s8 =	sadd.s32 $0xFFFFE003, lr  }
0x1b: {  	s9 =	sadd.s32 $0xFFFFFEF7, lr;
	s5 =	simm.s32 $0xFFFFFFFF;
	p2 =	slt.u32 s8, $0xFFFFF086  }
0x1c: {  	p1 =	slt.u32 s9, $0xF7A;
	s5 =	simm.s32 @!p2 $0x0  }
0x1d: {  	s5 =	simm.s32 @p1 $0x1;
	p0 =	seq.s32 s7, s2  }
0x1e: {  	s7 =	smul.u32 @!p0 $0xF7A, s2;
	p2 =	seq.s32 @!p0 s5, $0x0  }
0x1f: {  	s9 =	smul.u32 $0xF7A, s1;
	s8 =	simm.s32 @!p0 $0x1BF5;
	p2 =	por !p2, p0  }
0x20: {  	[sflag:s8] =	ssyncset.s32 @!p0 $0xFFFFF086;
	s6 =	sadd.s32 @!p0 s3, s7;
	s7 =	simm.s32 @!p0 $0x108  }
0x21: {  	s3 =	sadd.s32 s3, s9;
	s6 =	sadd.s32 @!p0 $0x88, s6;
	s7 =	simm.s32 @p2 $0x1082  }
0x22: {  	[simem:s7], [sflag:s8] =	dma.local @!p0 [hbm:s6], $0xF7A  }
0x23: {  	s9 =	sor.u32 $0xD0000000, s2;
	s6 =	simm.s32 $0x108;
	_ =	swait.ge @!p0 [sflag:s8], $0x0  }
0x24: {  	s3 =	sadd.s32 $0x88, s3;
	s6 =	simm.s32 @!p1 $0x1082;
	[sflag:s4] =	ssyncset.s32 $0xFFFFF086  }
0x25: {  	[simem:s6], [sflag:s4] =	dma.local [hbm:s3], $0xF7A  }
0x26: {  	[smem:$0x3F92] =	sst s1;
	(tag) =	ssettag s2;
	_ =	strace s9  }
0x27: {  	s1 =	sld [smem:$0x3FA2]  }
0x28: {  	s2 =	sld [smem:$0x3FA3]  }
0x29: {  	s4 =	sld [smem:$0x3FA5]  }
0x2a: {  	p0 =	seq.s32 s5, $0x0;
	s5 =	sld [smem:$0x3FA6]  }
0x2b: {  	s6 =	sld [smem:$0x3FA7]  }
0x2c: {  	s7 =	sld [smem:$0x3FA8]  }
0x2d: {  	s3 =	simm.s32 $0x108;
	s8 =	sld [smem:$0x3FA9]  }
0x2e: {  	s3 =	simm.s32 @!p0 $0x1082;
	s9 =	sld [smem:$0x3FAA]  }
0x2f: {  	lr =	sadd.s32 s0, s3;
	s0 =	sld [smem:$0x3FA1]  }
0x30: {  	s3 =	sld [smem:$0x3FA4]  }
0x31: {  	[smem:$0x3FAD] =	sst s10  }
0x32: {  	s10 =	sld [smem:$0x3FAB];
	_ =	sdelay $0x3  }
0x33: {  	p0 =	seq.s32 s10, $0x1;
	s10 =	sld [smem:$0x3FAD];
	_ =	sdelay $0x3  }
0x34: {  	[smem:$0x3FAD] =	sst s10  }
0x35: {  	s10 =	sld [smem:$0x3FAC];
	_ =	sdelay $0x3  }
0x36: {  	p1 =	seq.s32 s10, $0x1;
	s10 =	sld [smem:$0x3FAD];
	_ =	sdelay $0x3  }
0x37: {  	[smem:$0x3FAD] =	sst s10  }
0x38: {  	s10 =	sld [smem:$0x3FAE]  }
0x39: {  	_ = 	snop;
	(pc) =	sbr.ind lr, $3  }
0x3a: {  	_ = 	snop  }
0x3b: {  	_ = 	snop  }
0x3c: {  	p2 =	seq.s32 s10, $0x1;
	s10 =	sld [smem:$0x3FAD]  }
0x3d: {  	_ =	shalt  }
0x3e: {  	_ =	shalt  }
0x3f: {  	_ =	shalt  }
0x40: {  	_ =	shalt  }
0x41: {  	_ =	shalt  }
0x42: {  	_ =	shalt  }
0x43: {  	_ =	shalt  }
0x44: {  	_ =	shalt  }
0x45: {  	_ =	shalt  }
0x46: {  	_ =	shalt  }
0x47: {  	_ =	shalt  }
0x48: {  	_ =	shalt  }
0x49: {  	_ =	shalt  }
0x4a: {  	_ =	shalt  }
0x4b: {  	_ =	shalt  }
0x4c: {  	_ =	shalt  }
0x4d: {  	_ =	shalt  }
0x4e: {  	_ =	shalt  }
0x4f: {  	_ =	shalt  }
0x50: {  	_ =	shalt  }
0x51: {  	_ =	shalt  }
0x52: {  	_ =	shalt  }
0x53: {  	_ =	shalt  }
0x54: {  	_ =	shalt  }
0x55: {  	_ =	shalt  }
0x56: {  	_ =	shalt  }
0x57: {  	_ =	shalt  }
0x58: {  	_ =	shalt  }
0x59: {  	_ =	shalt  }
0x5a: {  	_ =	shalt  }
0x5b: {  	_ =	shalt  }
0x5c: {  	_ =	shalt  }
0x5d: {  	_ =	shalt  }
0x5e: {  	_ =	shalt  }
0x5f: {  	_ =	shalt  }
0x60: {  	_ =	shalt  }
0x61: {  	_ =	shalt  }
0x62: {  	_ =	shalt  }
0x63: {  	_ =	shalt  }
0x64: {  	_ =	shalt  }
0x65: {  	_ =	shalt  }
0x66: {  	_ =	shalt  }
0x67: {  	_ =	shalt  }
0x68: {  	_ =	shalt  }
0x69: {  	_ =	shalt  }
0x6a: {  	_ =	shalt  }
0x6b: {  	_ =	shalt  }
0x6c: {  	_ =	shalt  }
0x6d: {  	_ =	shalt  }
0x6e: {  	_ =	shalt  }
0x6f: {  	_ =	shalt  }
0x70: {  	_ =	shalt  }
0x71: {  	_ =	shalt  }
0x72: {  	_ =	shalt  }
0x73: {  	_ =	shalt  }
0x74: {  	_ =	shalt  }
0x75: {  	_ =	shalt  }
0x76: {  	_ =	shalt  }
0x77: {  	_ =	shalt  }
0x78: {  	_ =	shalt  }
0x79: {  	_ =	shalt  }
0x7a: {  	_ =	shalt  }
0x7b: {  	_ =	shalt  }
0x7c: {  	_ =	shalt  }
0x7d: {  	_ =	shalt  }
0x7e: {  	_ =	shalt  }
0x7f: {  	_ =	shalt  }
0x80: {  	_ =	shalt  }
0x81: {  	_ =	shalt  }
0x82: {  	_ =	shalt  }
0x83: {  	_ =	shalt  }
0x84: {  	_ =	shalt  }
0x85: {  	_ =	shalt  }
0x86: {  	_ =	shalt  }
0x87: {  	_ =	shalt  }
.Lfunc_end0:
.L_simem_size_0:
called_computation.1_lowered:
.L_overlay_start_0:
0x88: {  	s2 =	sld [smem:$0x3FD9]  }
0x89: {  	s3 =	sld [smem:$0x3FFE];
	_ =	sdelay $0x1  }
0x8a: {  	s1 =	srdreg.scid  }
0x8b: {  	s0 =	sand.u32 $0x1, s1  }
0x8c: {  	s16 =	sshll.u32 s0, $0xA;
	s2 =	sadd.s32 s3, s2  }
0x8d: {  	s2 =	sadd.s32 s2, s16  }
0x8e: {  	[smem:$0x3FB9] =	sst s2  }
0x8f: {  	_ = 	snop  }
0x90: {  	(tm) =	ssettm $0x1  }
0x91: {  	s17 =	sld [smem:$0x3FFB];
	_ =	sdelay $0x3  }
0x92: {  	_ =	strace s17  }
0x93: {  	s2 =	sld [smem:$0x3FFC];
	_ =	sdelay $0x3  }
0x94: {  	_ =	strace s2  }
0x95: {  	s2 =	sld [smem:$0x3FFD];
	_ =	sdelay $0x3  }
0x96: {  	_ =	strace s2  }
0x97: {  	_ =	strace $0x8FFFFFFF  }
0x98: {  	s18 =	sld [smem:$0x3FDB];
	_ =	sdelay $0x1  }
0x99: {  	s19 =	simm.s32 $_scs_section_size  }
0x9a: {  	s4 =	simm.s32 $_size__tile_overlayer_lowered;
	s5 =	simm.s32 $_tile_overlayer_lowered  }
0x9b: {  	s22 =	simm.s32 $0x1BFF;
	s21 =	sshll.u32 s5, $0x1;
	s2 =	sadd.s32 s19, s18  }
0x9c: {  	s6 =	simm.s32 $0x0;
	s20 =	sshll.u32 s4, $0x1;
	s4 =	sadd.s32 s21, s2  }
0x9d: {  	[timem:s6], [sflag:s22] =	dma.local [hbm:s4], s20  }
0x9e: {  	_ =	swait.ge [sflag:s22], s20  }
0x9f: {  	s3 =	ssub.s32 $0x0, s20;
	[sflag:s22] =	ssyncset.done $0x0  }
0xa0: {  	[sflag:s22] =	ssyncadd.s32 s3;
	_ =	sdelay $0x1  }
0xa1: {  	s23 =	simm.s32 $0x1B8B  }
0xa2: {  	_ =	swait.ge [sflag:s23], $0x1  }
0xa3: {  	[sflag:s23] =	ssyncset.done $0x0  }
0xa4: {  	s25 =	simm.s32 $0x1B8E;
	s24 =	sld [smem:$0x3FFE];
	[sflag:s23] =	ssyncadd.s32 $0xFFFFFFFF  }
0xa5: {  	s26 =	simm.s32 $execute0_lowered;
	[smem:$0x3FD2] =	sst s25  }
0xa6: {  	s4 =	sshll.u32 s26, $0x1;
	_ =	strace $0x80000049;
	[dreg:$0x1] =	wrdreg $0xFFFFFFFF  }
0xa7: {  	s28 =	simm.s32 $_size_execute0_lowered;
	s2 =	sadd.s32 s2, s4;
	[dreg:$0x0] =	wrdreg $0x0  }
0xa8: {  	s4 =	sshll.u32 s28, $0x1;
	[dreg:$0x2] =	wrdreg s2  }
0xa9: {  	[dreg:$0x3] =	wrdreg s4  }
0xaa: {  	[dreg:$0x4] =	wrdreg $0xC0  }
0xab: {  	_ =	task [dreg:s6], $0x5FFFF  }
0xac: {  	[dreg:$0x1] =	wrdreg $0xFFFFFFFF  }
0xad: {  	[dreg:$0x0] =	wrdreg $0x60  }
0xae: {  	[dreg:$0x2] =	wrdreg s24  }
0xaf: {  	[dreg:$0x3] =	wrdreg $0x90000  }
0xb0: {  	[dreg:$0x4] =	wrdreg $0x9  }
0xb1: {  	_ =	task.clear_ibuf [dreg:s6], $0x5FFFF;
	_ =	strace $0x90000049  }
0xb2: {  	s29 =	simm.s32 $0x9;
	_ =	strace $0x8000004B  }
0xb3: {  	_ =	swait.ge [sflag:s29], $0x1  }
0xb4: {  	[sflag:s29] =	ssyncadd.s32 $0xFFFFFFFF  }
0xb5: {  	_ =	strace $0x9000004B  }
0xb6: {  	_ =	sfence  }
0xb7: {  	s30 =	sld [smem:$0x0];
	_ =	sdelay $0x2  }
0xb8: {  	s31 =	sshll.u32 s1, $0xD;
	s1 =	sshrl.u32 s1, $0x2  }
0xb9: {  	s3 =	sand.u32 $0x4000, s31;
	s1 =	sadd.s32 s1, s30  }
0xba: {  	s0 =	sor.u32 s3, s0;
	s1 =	sshll.u32 s1, $0x11  }
0xbb: {  	s0 =	sor.u32 s1, s0  }
0xbc: {  	s0 =	sadd.s32 $0x8F2B, s0  }
0xbd: {  	[sflag:s0] =	ssyncadd.remote.s32 $0x1  }
0xbe: {  	_ =	sfence.sel $0xFFFF  }
0xbf: {  	[dreg:$0x0] =	wrdreg $0xFFFFFFFF;
	(pc) =	sbr.abs _section_cstart, $3  }
0xc0: {  	[dreg:$0x1] =	wrdreg $0xFFFFFFFF  }
0xc1: {  	_ =	task.clear_ibuf [dreg:s6], $0x2FFFF;
	_ =	strace $0x9FFFFFFF  }
0xc2: {  	(tm) =	ssettm $0x7FFFFFFF  }
0xc3: {  	_ =	shalt  }
tec
execute0_lowered:
.L_overlay_start_1:
0x0: {  	(tag) =	ssettag $0x1  }
0x1: {  	s0 =	rddreg [dreg:$0x0]  }
0x2: {  	s2 =	rddreg [dreg:$0x1]  }
0x3: {  	s1 =	stileid.u32;
	s5 =	srdreg.scid;
	s3 =	simm.s32 $0x0  }
0x4: {  	s11 =	simm.s32 $0xC800;
	s16 =	simm.s32 $0x1000;
	s17 =	simm.s32 $0x5  }
0x5: {  	s18 =	simm.s32 $0x800;
	s19 =	simm.s32 $0x80;
	s20 =	simm.s32 $0x5000  }
0x6: {  	s21 =	simm.s32 $0x2;
	s23 =	simm.s32 $0x3;
	s4 =	smul.u32 $0xA00, s1  }
0x7: {  	s24 =	simm.s32 $0x4;
	s25 =	simm.s32 $0x1;
	s30 =	smul.u32 $0x2800, s1  }
0x8: {  	s7 =	sand.u32 $0x1, s5;
	[smem:$0x7FF] =	sst s3;
	s8 =	smul.u32 $0x50000, s1  }
0x9: {  	s26 =	simm.s32 $0x0;
	s6 =	smul.u32 $0x28000, s7;
	_ =	strace $0x8000004A  }
0xa: {  	s9 =	ssub.s32 $0x2, s7;
	p0 =	seq.s32 s7, $0x0;
	s15 =	sadd.s32 s4, s0  }
0xb: {  	s4 =	sadd.s32 $0x20800, s0;
	s31 =	sshrl.u32 s9, $0x1;
	s8 =	sshrl.u32 s8, $0x2  }
0xc: {  	s11 =	simm.s32 @!p0 $0x2800;
	s5 =	sadd.s32 s30, s6;
	s12 =	ssub.s32 s9, s31  }
0xd: {  	s11 =	sadd.s32 s11, s15;
	s13 =	sadd.s32 $0x16800, s15;
	s15 =	sadd.s32 $0x16820, s15  }
0xe: {  	s0 =	sadd.s32 s5, s0;
	s5 =	sadd.s32 s8, s2;
	s12 =	smax.u32 s12, $0x1  }
0xf: {  	s14 =	sadd.s32 $0x20, s11;
	s6 =	sadd.s32 $0x4000, s5;
	s7 =	sadd.s32 $0x8000, s5  }
0x10: {  	v0 =	vimm.f32 $0.0e+00;
	s8 =	sadd.s32 $0xC000, s5;
	s9 =	sadd.s32 $0x10000, s5;
	s10 =	sadd.s32 $0x6EA00, s0  }
.LBB2_1:
0x11: {  	s28 =	simm.s32 $0x0;
	s29 =	simm.s32 $0x200  }
.LBB2_2:
0x12: {  	p0 =	sne.s32 s29, $0xFE00;
	[tilespmem:s28+$0x1070] =	vst v0  }
0x13: {  	[tilespmem:s28+$0x1000] =	vst v0  }
0x14: {  	[tilespmem:s28+$0x1010] =	vst v0  }
.Ltmp0:
0x15: {  	[tilespmem:s28+$0x1020] =	vst v0;
	(pc) =	sbr.rel @p0 .LBB2_2-.Ltmp0, $4  }
0x16: {  	[tilespmem:s28+$0x1030] =	vst v0  }
0x17: {  	[tilespmem:s28+$0x1040] =	vst v0  }
0x18: {  	[tilespmem:s28+$0x1050] =	vst v0  }
0x19: {  	[tilespmem:s28+$0x1060] =	vst v0;
	s28 =	sshra.s32 s29, $0x2;
	s29 =	sadd.s32 $0x200, s29  }
0x1a: {  	[tilespmem:s28+$0x1070] =	vst v0  }
0x1b: {  	[tilespmem:s28+$0x1000] =	vst v0  }
0x1c: {  	[tilespmem:s28+$0x1010] =	vst v0  }
0x1d: {  	[tilespmem:s28+$0x1020] =	vst v0  }
0x1e: {  	[tilespmem:s28+$0x1030] =	vst v0  }
0x1f: {  	[tilespmem:s28+$0x1040] =	vst v0  }
0x20: {  	[tilespmem:s28+$0x1050] =	vst v0  }
0x21: {  	[tilespmem:s28+$0x1060] =	vst v0  }
0x22: {  	[spmem:s5] =	stream.linear.scatter [tilespmem:s16], [sflag:$0x5], $0x4000, $0x38;
	[tilespmem:$0x1D000] =	vst v63  }
0x23: {  	_ =	swait.ge [sflag:s17], $0x4000  }
0x24: {  	[sflag:s17] =	ssyncset.done $0x0  }
0x25: {  	[sflag:s17] =	ssyncadd.s32 $0xFFFFC000  }
0x26: {  	[spmem:s6] =	stream.linear.scatter [tilespmem:s16], [sflag:$0x5], $0x4000, $0x38;
	[tilespmem:$0x1D000] =	vst v63  }
0x27: {  	_ =	swait.ge [sflag:s17], $0x4000  }
0x28: {  	[sflag:s17] =	ssyncset.done $0x0  }
0x29: {  	[sflag:s17] =	ssyncadd.s32 $0xFFFFC000  }
0x2a: {  	[spmem:s7] =	stream.linear.scatter [tilespmem:s16], [sflag:$0x5], $0x4000, $0x38;
	[tilespmem:$0x1D000] =	vst v63  }
0x2b: {  	_ =	swait.ge [sflag:s17], $0x4000  }
0x2c: {  	[sflag:s17] =	ssyncset.done $0x0  }
0x2d: {  	[sflag:s17] =	ssyncadd.s32 $0xFFFFC000  }
0x2e: {  	[spmem:s8] =	stream.linear.scatter [tilespmem:s16], [sflag:$0x5], $0x4000, $0x38;
	[tilespmem:$0x1D000] =	vst v63  }
0x2f: {  	_ =	swait.ge [sflag:s17], $0x4000  }
0x30: {  	[sflag:s17] =	ssyncset.done $0x0  }
0x31: {  	[sflag:s17] =	ssyncadd.s32 $0xFFFFC000  }
0x32: {  	[spmem:s9] =	stream.linear.scatter [tilespmem:s16], [sflag:$0x5], $0x4000, $0x38;
	[tilespmem:$0x1D000] =	vst v63  }
0x33: {  	_ =	swait.ge [sflag:s17], $0x4000  }
0x34: {  	[sflag:s17] =	ssyncset.done $0x0  }
0x35: {  	[sflag:s17] =	ssyncadd.s32 $0xFFFFC000  }
0x36: {  	[bflag:$0x0] =	sbarrier.arrive $0xFFFF  }
0x37: {  	[tilespmem:s3], [sflag:$0x5] =	stream.linear.gather [hbm4b:s11+s3], $0x800, $0x38;
	[tilespmem:$0x1D000] =	vst v63  }
0x38: {  	_ =	swait.ge [sflag:s17], $0x800  }
0x39: {  	[sflag:s17] =	ssyncset.done $0x0  }
0x3a: {  	[sflag:s17] =	ssyncadd.s32 $0xFFFFF800  }
0x3b: {  	[tilespmem:s18], [sflag:$0x5] =	stream.linear.gather [hbm4b:s13+s3], $0x800, $0x38;
	[tilespmem:$0x1D000] =	vst v63  }
0x3c: {  	_ =	swait.ge [sflag:s17], $0x800  }
0x3d: {  	[sflag:s17] =	ssyncset.done $0x0  }
0x3e: {  	[sflag:s17] =	ssyncadd.s32 $0xFFFFF800  }
0x3f: {  	[tilespmem:s16], [sflag:$0x1] =	stream.indirect.gather [hbm4b:s4+s19], $0x80, s3, s19, $0xb8;
	[tilespmem:$0x1D000] =	vst v63  }
0x40: {  	s0 =	simm.s32 $0x1  }
0x41: {  	[tilespmem:s20], [sflag:$0x2] =	stream.indirect.gather [hbm4b:s4+s19], $0x80, s19, s19, $0xb8;
	[tilespmem:$0x1D000] =	vst v63  }
0x42: {  	_ =	swait.ge [sflag:s0], $0x4000  }
0x43: {  	[sflag:s0] =	ssyncset.done $0x0  }
0x44: {  	[sflag:s0] =	ssyncadd.s32 $0xFFFFC000  }
0x45: {  	[spmem:s2] =	stream.indirect.scatter.add.f32 [tilespmem:s16], [sflag:$0x3], $0x80, s18, s19, $0xb8;
	[tilespmem:$0x1D000] =	vst v63  }
0x46: {  	_ =	swait.ge [sflag:s21], $0x4000  }
0x47: {  	[sflag:s21] =	ssyncset.done $0x0  }
0x48: {  	s1 =	simm.s32 $0x880;
	[sflag:s21] =	ssyncadd.s32 $0xFFFFC000  }
0x49: {  	[spmem:s2] =	stream.indirect.scatter.add.f32 [tilespmem:s20], [sflag:$0x4], $0x80, s1, s19, $0xb8;
	[tilespmem:$0x1D000] =	vst v63  }
0x4a: {  	_ =	swait.ge [sflag:s23], $0x4000  }
0x4b: {  	[sflag:s23] =	ssyncset.done $0x0  }
0x4c: {  	[sflag:s23] =	ssyncadd.s32 $0xFFFFC000  }
0x4d: {  	s0 =	sand.u32 $0x7, s0;
	_ =	swait.ge [sflag:s24], $0x4000  }
0x4e: {  	p0 =	sne.s32 s0, $0x0;
	[sflag:s24] =	ssyncset.done $0x0  }
0x4f: {  	s0 =	simm.s32 @!p0 $0x0;
	s28 =	simm.s32 @!p0 $0x5;
	[sflag:s24] =	ssyncadd.s32 $0xFFFFC000  }
0x50: {  	[tilespmem:s0], [sflag:$0x5] =	stream.linear.gather @!p0 [hbm4b:s14+s0], $0x800, $0x38;
	[tilespmem:$0x1D000] =	vst v63  }
0x51: {  	_ =	swait.ge @!p0 [sflag:s28], $0x800  }
0x52: {  	[sflag:s28] =	ssyncset.done @!p0 $0x0  }
0x53: {  	s29 =	simm.s32 @!p0 $0x800;
	[sflag:s28] =	ssyncadd.s32 @!p0 $0xFFFFF800  }
0x54: {  	[tilespmem:s29], [sflag:$0x5] =	stream.linear.gather @!p0 [hbm4b:s15+s0], $0x800, $0x38;
	[tilespmem:$0x1D000] =	vst v63  }
0x55: {  	_ =	swait.ge @!p0 [sflag:s28], $0x800  }
0x56: {  	s22 =	simm.s32 $0x100;
	[sflag:s28] =	ssyncset.done @!p0 $0x0  }
0x57: {  	s0 =	sand.u32 $0x700, s22;
	[sflag:s28] =	ssyncadd.s32 @!p0 $0xFFFFF800  }
0x58: {  	[tilespmem:s16], [sflag:$0x1] =	stream.indirect.gather [hbm4b:s4+s19], $0x80, s0, s19, $0xb8;
	[tilespmem:$0x1D000] =	vst v63  }
0x59: {  	s28 =	sor.u32 $0x80, s0  }
0x5a: {  	[tilespmem:s20], [sflag:$0x2] =	stream.indirect.gather [hbm4b:s4+s19], $0x80, s28, s19, $0xb8;
	[tilespmem:$0x1D000] =	vst v63  }
0x5b: {  	_ =	swait.ge [sflag:s25], $0x4000  }
0x5c: {  	[sflag:s25] =	ssyncset.done $0x0  }
0x5d: {  	s28 =	sor.u32 $0x800, s0;
	[sflag:s25] =	ssyncadd.s32 $0xFFFFC000  }
0x5e: {  	[spmem:s2] =	stream.indirect.scatter.add.f32 [tilespmem:s16], [sflag:$0x3], $0x80, s28, s19, $0xb8;
	[tilespmem:$0x1D000] =	vst v63  }
0x5f: {  	s30 =	simm.s32 $0x200;
	_ =	swait.ge [sflag:s21], $0x4000  }
0x60: {  	s31 =	sadd.s32 $0x20, s14;
	s29 =	sadd.s32 $0x20, s15;
	[sflag:s21] =	ssyncset.done $0x0  }
0x61: {  	s0 =	sor.u32 $0x880, s0;
	s28 =	simm.s32 $0x2;
	[sflag:s21] =	ssyncadd.s32 $0xFFFFC000  }
.LBB2_4:
0x62: {  	[spmem:s2] =	stream.indirect.scatter.add.f32 [tilespmem:s20], [sflag:$0x4], $0x80, s0, s19, $0xb8;
	[tilespmem:$0x1D000] =	vst v63  }
0x63: {  	s0 =	smov.u32 s28;
	s28 =	sadd.s32 $0x1, s28;
	_ =	swait.ge [sflag:s23], $0x4000  }
0x64: {  	p0 =	sne.s32 s28, $0x50;
	[sflag:s23] =	ssyncset.done $0x0  }
0x65: {  	[sflag:s23] =	ssyncadd.s32 $0xFFFFC000  }
0x66: {  	s0 =	sand.u32 $0x7, s0;
	_ =	swait.ge [sflag:s24], $0x4000  }
0x67: {  	p1 =	sne.s32 s0, $0x0;
	[sflag:s24] =	ssyncset.done $0x0  }
0x68: {  	s0 =	simm.s32 @!p1 $0x0;
	s1 =	simm.s32 @!p1 $0x5;
	[sflag:s24] =	ssyncadd.s32 $0xFFFFC000  }
0x69: {  	[tilespmem:s0], [sflag:$0x5] =	stream.linear.gather @!p1 [hbm4b:s31+s0], $0x800, $0x38;
	[tilespmem:$0x1D000] =	vst v63  }
0x6a: {  	_ =	swait.ge @!p1 [sflag:s1], $0x800  }
0x6b: {  	[sflag:s1] =	ssyncset.done @!p1 $0x0  }
0x6c: {  	s22 =	simm.s32 @!p1 $0x800;
	[sflag:s1] =	ssyncadd.s32 @!p1 $0xFFFFF800  }
0x6d: {  	[tilespmem:s22], [sflag:$0x5] =	stream.linear.gather @!p1 [hbm4b:s29+s0], $0x800, $0x38;
	[tilespmem:$0x1D000] =	vst v63  }
0x6e: {  	_ =	swait.ge @!p1 [sflag:s1], $0x800  }
0x6f: {  	[sflag:s1] =	ssyncset.done @!p1 $0x0  }
0x70: {  	s0 =	sand.u32 $0x700, s30;
	[sflag:s1] =	ssyncadd.s32 @!p1 $0xFFFFF800  }
0x71: {  	[tilespmem:s16], [sflag:$0x1] =	stream.indirect.gather [hbm4b:s4+s19], $0x80, s0, s19, $0xb8;
	[tilespmem:$0x1D000] =	vst v63  }
0x72: {  	s1 =	sor.u32 $0x80, s0  }
0x73: {  	[tilespmem:s20], [sflag:$0x2] =	stream.indirect.gather [hbm4b:s4+s19], $0x80, s1, s19, $0xb8;
	[tilespmem:$0x1D000] =	vst v63  }
0x74: {  	_ =	swait.ge [sflag:s25], $0x4000  }
0x75: {  	[sflag:s25] =	ssyncset.done $0x0  }
.Ltmp1:
0x76: {  	s1 =	sor.u32 $0x800, s0;
	[sflag:s25] =	ssyncadd.s32 $0xFFFFC000;
	(pc) =	sbr.rel @p0 .LBB2_4-.Ltmp1, $4  }
0x77: {  	[spmem:s2] =	stream.indirect.scatter.add.f32 [tilespmem:s16], [sflag:$0x3], $0x80, s1, s19, $0xb8;
	[tilespmem:$0x1D000] =	vst v63  }
0x78: {  	_ =	swait.ge [sflag:s21], $0x4000  }
0x79: {  	s29 =	sadd.s32 $0x20, s29;
	s30 =	sadd.s32 $0x100, s30;
	[sflag:s21] =	ssyncset.done $0x0  }
0x7a: {  	s31 =	sadd.s32 $0x20, s31;
	s0 =	sor.u32 $0x880, s0;
	[sflag:s21] =	ssyncadd.s32 $0xFFFFC000  }
0x7b: {  	[spmem:s2] =	stream.indirect.scatter.add.f32 [tilespmem:s20], [sflag:$0x4], $0x80, s0, s19, $0xb8;
	[tilespmem:$0x1D000] =	vst v63  }
0x7c: {  	_ =	swait.ge [sflag:s23], $0x4000  }
0x7d: {  	[sflag:s23] =	ssyncset.done $0x0  }
0x7e: {  	[sflag:s23] =	ssyncadd.s32 $0xFFFFC000  }
0x7f: {  	s31 =	stileid.u32;
	_ =	swait.ge [sflag:s24], $0x4000  }
0x80: {  	s1 =	sshrl.u32 s5, $0x3;
	s26 =	sadd.s32 $0x1, s26;
	[sflag:s24] =	ssyncset.done $0x0  }
0x81: {  	s0 =	sshll.u32 s31, $0x6;
	p0 =	sne.s32 s26, s12;
	[sflag:s24] =	ssyncadd.s32 $0xFFFFC000  }
.Ltmp2:
0x82: {  	s0 =	sor.u32 $0x1C05, s0;
	[bflag:$0x0] =	sbarrier.arrive $0xFFFF;
	(pc) =	sbr.rel @p0 .LBB2_1-.Ltmp2, $4  }
0x83: {  	[hbm:s10], [sflag:s0] =	dma.local [spmem:s1], $0x2800  }
0x84: {  	_ =	swait.ge [sflag:s17], $0x2800  }
0x85: {  	[sflag:s17] =	ssyncset.done $0x0  }
0x86: {  	[sflag:s17] =	ssyncadd.s32 $0xFFFFD800  }
0x87: {  	_ =	sfence.sel $0x180000  }
0x88: {  	[bflag:$0x0] =	sbarrier.arrive $0xFFFF  }
0x89: {  	_ =	strace $0x9000004A  }
0x8a: {  	s0 =	stileid.u32;
	[bflag:$0x2] =	sbarrier.arrive $0xFFFF  }
0x8b: {  	p0 =	sne.s32 s0, $0x0;
	s0 =	rddreg [dreg:$0x2]  }
0x8c: {  	s0 =	sadd.s32 @!p0 $0x100000, s0  }
0x8d: {  	[sflag:s0] =	ssyncadd.tile.s32 @!p0 $0x1;
	_ =	shalt  }
.Lfunc_end2:
_tile_overlayer_lowered:
.L_overlay_start_2:
0x8e: {  	(tag) =	ssettag $0x2  }
0x8f: {  	s0 =	rddreg [dreg:$0x0];
	s2 =	stileid.u32  }
0x90: {  	s1 =	rddreg [dreg:$0x1];
	p0 =	sne.s32 s2, $0x0  }
0x91: {  	s3 =	rddreg [dreg:$0x2];
	[bflag:$0x3] =	sbarrier.arrive $0xFFFF;
	s2 =	simm.s32 @!p0 $0x1C05  }
0x92: {  	[timem:s3], [sflag:s2] =	dma.local @!p0 [hbm:s0], s1  }
0x93: {  	s0 =	simm.s32 @!p0 $0x5  }
0x94: {  	_ =	swait.ge @!p0 [sflag:s0], s1  }
0x95: {  	s1 =	ssub.s32 @!p0 $0x0, s1;
	[sflag:s0] =	ssyncset.done @!p0 $0x0  }
0x96: {  	[sflag:s0] =	ssyncadd.s32 @!p0 s1  }
0x97: {  	[bflag:$0x3] =	sbarrier.arrive $0xFFFF  }
0x98: {  	_ =	shalt  }

// kernel: kernel.7.cloned.1.call-start
scs
__scs_entry_jumppad:
0x0: {  	(pc) =	sbr.rel $0x88, $3  }
0x1: {  	(tag) =	ssettag $0x0;
	lr =	simm.s32 $0x1  }
0x2: {  	[smem:$0x3F92] =	sst lr;
	_ =	strace $0xD0000000  }
0x3: {  	_ = 	snop  }
0x4: {  	_ = 	snop  }
0x5: {  	_ = 	snop  }
0x6: {  	_ = 	snop  }
0x7: {  	_ = 	snop  }
__scs_overlays_trampoline_lowered:
0x8: {  	[smem:$0x3FA1] =	sst s0  }
0x9: {  	[smem:$0x3FA2] =	sst s1  }
0xa: {  	[smem:$0x3FA3] =	sst s2  }
0xb: {  	[smem:$0x3FA4] =	sst s3  }
0xc: {  	[smem:$0x3FA5] =	sst s4  }
0xd: {  	[smem:$0x3FA6] =	sst s5  }
0xe: {  	[smem:$0x3FA7] =	sst s6  }
0xf: {  	[smem:$0x3FA8] =	sst s7  }
0x10: {  	[smem:$0x3FA9] =	sst s8  }
0x11: {  	[smem:$0x3FAA] =	sst s9;
	s0 =	simm.s32 @!p0 $0x0  }
0x12: {  	s1 =	sld [smem:$0x3F90];
	s0 =	simm.s32 @p0 $0x1  }
0x13: {  	[smem:$0x3FAB] =	sst s0;
	s0 =	simm.s32 @!p1 $0x0  }
0x14: {  	s2 =	sld [smem:$0x3F8F];
	s0 =	simm.s32 @p1 $0x1  }
0x15: {  	[smem:$0x3FAC] =	sst s0;
	s0 =	simm.s32 @!p2 $0x0  }
0x16: {  	s3 =	sld [smem:$0x3FDB];
	s0 =	simm.s32 @p2 $0x1  }
0x17: {  	s4 =	simm.s32 $0x1BF5;
	[smem:$0x3FAE] =	sst s0  }
0x18: {  	s0 =	sld [smem:$0x3F91];
	_ =	swait.ge [sflag:s4], $0x0  }
0x19: {  	s7 =	sld [smem:$0x3F92]  }
0x1a: {  	s8 =	sadd.s32 $0xFFFFE003, lr  }
0x1b: {  	s9 =	sadd.s32 $0xFFFFFEF7, lr;
	s5 =	simm.s32 $0xFFFFFFFF;
	p2 =	slt.u32 s8, $0xFFFFF086  }
0x1c: {  	p1 =	slt.u32 s9, $0xF7A;
	s5 =	simm.s32 @!p2 $0x0  }
0x1d: {  	s5 =	simm.s32 @p1 $0x1;
	p0 =	seq.s32 s7, s2  }
0x1e: {  	s7 =	smul.u32 @!p0 $0xF7A, s2;
	p2 =	seq.s32 @!p0 s5, $0x0  }
0x1f: {  	s9 =	smul.u32 $0xF7A, s1;
	s8 =	simm.s32 @!p0 $0x1BF5;
	p2 =	por !p2, p0  }
0x20: {  	[sflag:s8] =	ssyncset.s32 @!p0 $0xFFFFF086;
	s6 =	sadd.s32 @!p0 s3, s7;
	s7 =	simm.s32 @!p0 $0x108  }
0x21: {  	s3 =	sadd.s32 s3, s9;
	s6 =	sadd.s32 @!p0 $0x88, s6;
	s7 =	simm.s32 @p2 $0x1082  }
0x22: {  	[simem:s7], [sflag:s8] =	dma.local @!p0 [hbm:s6], $0xF7A  }
0x23: {  	s9 =	sor.u32 $0xD0000000, s2;
	s6 =	simm.s32 $0x108;
	_ =	swait.ge @!p0 [sflag:s8], $0x0  }
0x24: {  	s3 =	sadd.s32 $0x88, s3;
	s6 =	simm.s32 @!p1 $0x1082;
	[sflag:s4] =	ssyncset.s32 $0xFFFFF086  }
0x25: {  	[simem:s6], [sflag:s4] =	dma.local [hbm:s3], $0xF7A  }
0x26: {  	[smem:$0x3F92] =	sst s1;
	(tag) =	ssettag s2;
	_ =	strace s9  }
0x27: {  	s1 =	sld [smem:$0x3FA2]  }
0x28: {  	s2 =	sld [smem:$0x3FA3]  }
0x29: {  	s4 =	sld [smem:$0x3FA5]  }
0x2a: {  	p0 =	seq.s32 s5, $0x0;
	s5 =	sld [smem:$0x3FA6]  }
0x2b: {  	s6 =	sld [smem:$0x3FA7]  }
0x2c: {  	s7 =	sld [smem:$0x3FA8]  }
0x2d: {  	s3 =	simm.s32 $0x108;
	s8 =	sld [smem:$0x3FA9]  }
0x2e: {  	s3 =	simm.s32 @!p0 $0x1082;
	s9 =	sld [smem:$0x3FAA]  }
0x2f: {  	lr =	sadd.s32 s0, s3;
	s0 =	sld [smem:$0x3FA1]  }
0x30: {  	s3 =	sld [smem:$0x3FA4]  }
0x31: {  	[smem:$0x3FAD] =	sst s10  }
0x32: {  	s10 =	sld [smem:$0x3FAB];
	_ =	sdelay $0x3  }
0x33: {  	p0 =	seq.s32 s10, $0x1;
	s10 =	sld [smem:$0x3FAD];
	_ =	sdelay $0x3  }
0x34: {  	[smem:$0x3FAD] =	sst s10  }
0x35: {  	s10 =	sld [smem:$0x3FAC];
	_ =	sdelay $0x3  }
0x36: {  	p1 =	seq.s32 s10, $0x1;
	s10 =	sld [smem:$0x3FAD];
	_ =	sdelay $0x3  }
0x37: {  	[smem:$0x3FAD] =	sst s10  }
0x38: {  	s10 =	sld [smem:$0x3FAE]  }
0x39: {  	_ = 	snop;
	(pc) =	sbr.ind lr, $3  }
0x3a: {  	_ = 	snop  }
0x3b: {  	_ = 	snop  }
0x3c: {  	p2 =	seq.s32 s10, $0x1;
	s10 =	sld [smem:$0x3FAD]  }
0x3d: {  	_ =	shalt  }
0x3e: {  	_ =	shalt  }
0x3f: {  	_ =	shalt  }
0x40: {  	_ =	shalt  }
0x41: {  	_ =	shalt  }
0x42: {  	_ =	shalt  }
0x43: {  	_ =	shalt  }
0x44: {  	_ =	shalt  }
0x45: {  	_ =	shalt  }
0x46: {  	_ =	shalt  }
0x47: {  	_ =	shalt  }
0x48: {  	_ =	shalt  }
0x49: {  	_ =	shalt  }
0x4a: {  	_ =	shalt  }
0x4b: {  	_ =	shalt  }
0x4c: {  	_ =	shalt  }
0x4d: {  	_ =	shalt  }
0x4e: {  	_ =	shalt  }
0x4f: {  	_ =	shalt  }
0x50: {  	_ =	shalt  }
0x51: {  	_ =	shalt  }
0x52: {  	_ =	shalt  }
0x53: {  	_ =	shalt  }
0x54: {  	_ =	shalt  }
0x55: {  	_ =	shalt  }
0x56: {  	_ =	shalt  }
0x57: {  	_ =	shalt  }
0x58: {  	_ =	shalt  }
0x59: {  	_ =	shalt  }
0x5a: {  	_ =	shalt  }
0x5b: {  	_ =	shalt  }
0x5c: {  	_ =	shalt  }
0x5d: {  	_ =	shalt  }
0x5e: {  	_ =	shalt  }
0x5f: {  	_ =	shalt  }
0x60: {  	_ =	shalt  }
0x61: {  	_ =	shalt  }
0x62: {  	_ =	shalt  }
0x63: {  	_ =	shalt  }
0x64: {  	_ =	shalt  }
0x65: {  	_ =	shalt  }
0x66: {  	_ =	shalt  }
0x67: {  	_ =	shalt  }
0x68: {  	_ =	shalt  }
0x69: {  	_ =	shalt  }
0x6a: {  	_ =	shalt  }
0x6b: {  	_ =	shalt  }
0x6c: {  	_ =	shalt  }
0x6d: {  	_ =	shalt  }
0x6e: {  	_ =	shalt  }
0x6f: {  	_ =	shalt  }
0x70: {  	_ =	shalt  }
0x71: {  	_ =	shalt  }
0x72: {  	_ =	shalt  }
0x73: {  	_ =	shalt  }
0x74: {  	_ =	shalt  }
0x75: {  	_ =	shalt  }
0x76: {  	_ =	shalt  }
0x77: {  	_ =	shalt  }
0x78: {  	_ =	shalt  }
0x79: {  	_ =	shalt  }
0x7a: {  	_ =	shalt  }
0x7b: {  	_ =	shalt  }
0x7c: {  	_ =	shalt  }
0x7d: {  	_ =	shalt  }
0x7e: {  	_ =	shalt  }
0x7f: {  	_ =	shalt  }
0x80: {  	_ =	shalt  }
0x81: {  	_ =	shalt  }
0x82: {  	_ =	shalt  }
0x83: {  	_ =	shalt  }
0x84: {  	_ =	shalt  }
0x85: {  	_ =	shalt  }
0x86: {  	_ =	shalt  }
0x87: {  	_ =	shalt  }
.Lfunc_end0:
.L_simem_size_0:
called_computation_lowered:
.L_overlay_start_0:
0x88: {  	s2 =	sld [smem:$0x3FD9]  }
0x89: {  	s3 =	sld [smem:$0x3FFE];
	_ =	sdelay $0x1  }
0x8a: {  	s1 =	srdreg.scid  }
0x8b: {  	s0 =	sand.u32 $0x1, s1  }
0x8c: {  	s16 =	sshll.u32 s0, $0xA;
	s2 =	sadd.s32 s3, s2  }
0x8d: {  	s2 =	sadd.s32 s2, s16  }
0x8e: {  	[smem:$0x3FB9] =	sst s2  }
0x8f: {  	_ = 	snop  }
0x90: {  	(tm) =	ssettm $0x1  }
0x91: {  	s17 =	sld [smem:$0x3FFB];
	_ =	sdelay $0x3  }
0x92: {  	_ =	strace s17  }
0x93: {  	s2 =	sld [smem:$0x3FFC];
	_ =	sdelay $0x3  }
0x94: {  	_ =	strace s2  }
0x95: {  	s2 =	sld [smem:$0x3FFD];
	_ =	sdelay $0x3  }
0x96: {  	_ =	strace s2  }
0x97: {  	_ =	strace $0x8FFFFFFF  }
0x98: {  	s18 =	sld [smem:$0x3FDB];
	_ =	sdelay $0x1  }
0x99: {  	s19 =	simm.s32 $_scs_section_size  }
0x9a: {  	s4 =	simm.s32 $_size__tile_overlayer_lowered;
	s5 =	simm.s32 $_tile_overlayer_lowered  }
0x9b: {  	s22 =	simm.s32 $0x1BFF;
	s21 =	sshll.u32 s5, $0x1;
	s2 =	sadd.s32 s19, s18  }
0x9c: {  	s6 =	simm.s32 $0x0;
	s20 =	sshll.u32 s4, $0x1;
	s4 =	sadd.s32 s21, s2  }
0x9d: {  	[timem:s6], [sflag:s22] =	dma.local [hbm:s4], s20  }
0x9e: {  	_ =	swait.ge [sflag:s22], s20  }
0x9f: {  	s3 =	ssub.s32 $0x0, s20;
	[sflag:s22] =	ssyncset.done $0x0  }
0xa0: {  	[sflag:s22] =	ssyncadd.s32 s3;
	_ =	sdelay $0x1  }
0xa1: {  	s23 =	simm.s32 $0x1B8B  }
0xa2: {  	_ =	swait.ge [sflag:s23], $0x1  }
0xa3: {  	[sflag:s23] =	ssyncset.done $0x0  }
0xa4: {  	s25 =	simm.s32 $0x1B8E;
	s24 =	sld [smem:$0x3FFE];
	[sflag:s23] =	ssyncadd.s32 $0xFFFFFFFF  }
0xa5: {  	s26 =	simm.s32 $execute0_lowered;
	[smem:$0x3FD2] =	sst s25  }
0xa6: {  	s4 =	sshll.u32 s26, $0x1;
	_ =	strace $0x80000046;
	[dreg:$0x1] =	wrdreg $0xFFFFFFFF  }
0xa7: {  	s28 =	simm.s32 $_size_execute0_lowered;
	s2 =	sadd.s32 s2, s4;
	[dreg:$0x0] =	wrdreg $0x0  }
0xa8: {  	s4 =	sshll.u32 s28, $0x1;
	[dreg:$0x2] =	wrdreg s2  }
0xa9: {  	[dreg:$0x3] =	wrdreg s4  }
0xaa: {  	[dreg:$0x4] =	wrdreg $0xC0  }
0xab: {  	_ =	task [dreg:s6], $0x5FFFF  }
0xac: {  	[dreg:$0x1] =	wrdreg $0xFFFFFFFF  }
0xad: {  	[dreg:$0x0] =	wrdreg $0x60  }
0xae: {  	[dreg:$0x2] =	wrdreg s24  }
0xaf: {  	[dreg:$0x3] =	wrdreg $0x68000  }
0xb0: {  	[dreg:$0x4] =	wrdreg $0x9  }
0xb1: {  	_ =	task.clear_ibuf [dreg:s6], $0x5FFFF;
	_ =	strace $0x90000046  }
0xb2: {  	s29 =	simm.s32 $0x9;
	_ =	strace $0x80000048  }
0xb3: {  	_ =	swait.ge [sflag:s29], $0x1  }
0xb4: {  	[sflag:s29] =	ssyncadd.s32 $0xFFFFFFFF  }
0xb5: {  	_ =	strace $0x90000048  }
0xb6: {  	_ =	sfence  }
0xb7: {  	s30 =	sld [smem:$0x0];
	_ =	sdelay $0x2  }
0xb8: {  	s31 =	sshll.u32 s1, $0xD;
	s1 =	sshrl.u32 s1, $0x2  }
0xb9: {  	s3 =	sand.u32 $0x4000, s31;
	s1 =	sadd.s32 s1, s30  }
0xba: {  	s0 =	sor.u32 s3, s0;
	s1 =	sshll.u32 s1, $0x11  }
0xbb: {  	s0 =	sor.u32 s1, s0  }
0xbc: {  	s0 =	sadd.s32 $0x8F2B, s0  }
0xbd: {  	[sflag:s0] =	ssyncadd.remote.s32 $0x1  }
0xbe: {  	_ =	sfence.sel $0xFFFF  }
0xbf: {  	[dreg:$0x0] =	wrdreg $0xFFFFFFFF;
	(pc) =	sbr.abs _section_cstart, $3  }
0xc0: {  	[dreg:$0x1] =	wrdreg $0xFFFFFFFF  }
0xc1: {  	_ =	task.clear_ibuf [dreg:s6], $0x2FFFF;
	_ =	strace $0x9FFFFFFF  }
0xc2: {  	(tm) =	ssettm $0x7FFFFFFF  }
0xc3: {  	_ =	shalt  }
tec
execute0_lowered:
.L_overlay_start_1:
0x0: {  	(tag) =	ssettag $0x1  }
0x1: {  	s5 =	rddreg [dreg:$0x0]  }
0x2: {  	s0 =	srdreg.scid;
	s2 =	rddreg [dreg:$0x1];
	s3 =	simm.s32 $0x0  }
0x3: {  	s12 =	simm.s32 $0x1;
	s4 =	sand.u32 $0x1, s0;
	s0 =	stileid.u32  }
0x4: {  	s13 =	simm.s32 $0x2800;
	s14 =	simm.s32 $0x80;
	s7 =	smul.u32 $0x2800, s0  }
0x5: {  	s17 =	simm.s32 $0x0;
	[smem:$0x7FF] =	sst s3;
	s8 =	smul.u32 $0x28000, s4  }
0x6: {  	s1 =	sshll.u32 s4, $0x4;
	s9 =	smul.u32 $0x50000, s0;
	s29 =	ssub.s32 $0x2, s4  }
0x7: {  	s15 =	sshll.u32 s0, $0x6;
	s1 =	sor.u32 s0, s1;
	s31 =	sshrl.u32 s29, $0x1  }
0x8: {  	s15 =	sor.u32 $0x1C01, s15;
	s6 =	smul.u32 $0x500, s1;
	s1 =	rddreg [dreg:$0x2]  }
0x9: {  	_ =	strace $0x80000047;
	s7 =	sadd.s32 s7, s8;
	s30 =	sshrl.u32 s9, $0x2  }
0xa: {  	s11 =	ssub.s32 s29, s31;
	s10 =	sadd.s32 s7, s5;
	s4 =	sadd.s32 s30, s2  }
0xb: {  	s11 =	smax.u32 s11, $0x1;
	s6 =	sadd.s32 s6, s5;
	s7 =	sadd.s32 $0x8000, s4  }
0xc: {  	s8 =	sadd.s32 $0xC000, s4;
	s9 =	sadd.s32 $0x10000, s4;
	s10 =	sadd.s32 $0x20800, s10  }
0xd: {  	v0 =	vimm.f32 $0.0e+00;
	v1 =	vimm.f32 $1.000000000e+00;
	s16 =	sshrl.u32 s4, $0x3;
	s5 =	sadd.s32 $0x16800, s6;
	s6 =	sadd.s32 $0x4000, s4  }
.LBB2_1:
0xe: {  	[tilespmem:s3], [sflag:$0x1] =	stream.linear.gather [hbm4b:s5+s3], $0x2800, $0x38;
	[tilespmem:$0x1A800] =	vst v63  }
0xf: {  	_ =	swait.ge [sflag:s12], $0x2800  }
0x10: {  	[sflag:s12] =	ssyncset.done $0x0  }
0x11: {  	s18 =	simm.s32 $0x0;
	s19 =	simm.s32 $0x200;
	[sflag:s12] =	ssyncadd.s32 $0xFFFFD800  }
.LBB2_2:
0x12: {  	p0 =	sne.s32 s19, $0xFE00;
	[tilespmem:s18+$0x2870] =	vst v0  }
0x13: {  	[tilespmem:s18+$0x2800] =	vst v0  }
0x14: {  	[tilespmem:s18+$0x2810] =	vst v0  }
.Ltmp0:
0x15: {  	[tilespmem:s18+$0x2820] =	vst v0;
	(pc) =	sbr.rel @p0 .LBB2_2-.Ltmp0, $4  }
0x16: {  	[tilespmem:s18+$0x2830] =	vst v0  }
0x17: {  	[tilespmem:s18+$0x2840] =	vst v0  }
0x18: {  	[tilespmem:s18+$0x2850] =	vst v0  }
0x19: {  	[tilespmem:s18+$0x2860] =	vst v0;
	s18 =	sshra.s32 s19, $0x2;
	s19 =	sadd.s32 $0x200, s19  }
0x1a: {  	[tilespmem:s18+$0x2870] =	vst v0  }
0x1b: {  	[tilespmem:s18+$0x2800] =	vst v0  }
0x1c: {  	[tilespmem:s18+$0x2810] =	vst v0  }
0x1d: {  	[tilespmem:s18+$0x2820] =	vst v0  }
0x1e: {  	[tilespmem:s18+$0x2830] =	vst v0  }
0x1f: {  	[tilespmem:s18+$0x2840] =	vst v0  }
0x20: {  	[tilespmem:s18+$0x2850] =	vst v0  }
0x21: {  	[tilespmem:s18+$0x2860] =	vst v0  }
0x22: {  	[spmem:s4] =	stream.linear.scatter [tilespmem:s13], [sflag:$0x1], $0x4000, $0x38;
	[tilespmem:$0x1A800] =	vst v63  }
0x23: {  	_ =	swait.ge [sflag:s12], $0x4000  }
0x24: {  	[sflag:s12] =	ssyncset.done $0x0  }
0x25: {  	[sflag:s12] =	ssyncadd.s32 $0xFFFFC000  }
0x26: {  	[spmem:s6] =	stream.linear.scatter [tilespmem:s13], [sflag:$0x1], $0x4000, $0x38;
	[tilespmem:$0x1A800] =	vst v63  }
0x27: {  	_ =	swait.ge [sflag:s12], $0x4000  }
0x28: {  	[sflag:s12] =	ssyncset.done $0x0  }
0x29: {  	[sflag:s12] =	ssyncadd.s32 $0xFFFFC000  }
0x2a: {  	[spmem:s7] =	stream.linear.scatter [tilespmem:s13], [sflag:$0x1], $0x4000, $0x38;
	[tilespmem:$0x1A800] =	vst v63  }
0x2b: {  	_ =	swait.ge [sflag:s12], $0x4000  }
0x2c: {  	[sflag:s12] =	ssyncset.done $0x0  }
0x2d: {  	[sflag:s12] =	ssyncadd.s32 $0xFFFFC000  }
0x2e: {  	[spmem:s8] =	stream.linear.scatter [tilespmem:s13], [sflag:$0x1], $0x4000, $0x38;
	[tilespmem:$0x1A800] =	vst v63  }
0x2f: {  	_ =	swait.ge [sflag:s12], $0x4000  }
0x30: {  	[sflag:s12] =	ssyncset.done $0x0  }
0x31: {  	[sflag:s12] =	ssyncadd.s32 $0xFFFFC000  }
0x32: {  	[spmem:s9] =	stream.linear.scatter [tilespmem:s13], [sflag:$0x1], $0x4000, $0x38;
	[tilespmem:$0x1A800] =	vst v63  }
0x33: {  	_ =	swait.ge [sflag:s12], $0x4000  }
0x34: {  	[sflag:s12] =	ssyncset.done $0x0  }
0x35: {  	s18 =	simm.s32 $0x0;
	s19 =	simm.s32 $0x200;
	[sflag:s12] =	ssyncadd.s32 $0xFFFFC000  }
.LBB2_4:
0x36: {  	p0 =	sne.s32 s19, $0xFE00;
	[tilespmem:s18+$0x2870] =	vst v1  }
0x37: {  	[tilespmem:s18+$0x2800] =	vst v1  }
0x38: {  	[tilespmem:s18+$0x2810] =	vst v1  }
.Ltmp1:
0x39: {  	[tilespmem:s18+$0x2820] =	vst v1;
	(pc) =	sbr.rel @p0 .LBB2_4-.Ltmp1, $4  }
0x3a: {  	[tilespmem:s18+$0x2830] =	vst v1  }
0x3b: {  	[tilespmem:s18+$0x2840] =	vst v1  }
0x3c: {  	[tilespmem:s18+$0x2850] =	vst v1  }
0x3d: {  	[tilespmem:s18+$0x2860] =	vst v1;
	s18 =	sshra.s32 s19, $0x2;
	s19 =	sadd.s32 $0x200, s19  }
0x3e: {  	[tilespmem:s18+$0x2870] =	vst v1  }
0x3f: {  	[tilespmem:s18+$0x2800] =	vst v1  }
0x40: {  	[tilespmem:s18+$0x2810] =	vst v1  }
0x41: {  	[tilespmem:s18+$0x2820] =	vst v1  }
0x42: {  	[tilespmem:s18+$0x2830] =	vst v1  }
0x43: {  	[tilespmem:s18+$0x2840] =	vst v1  }
0x44: {  	[tilespmem:s18+$0x2850] =	vst v1  }
0x45: {  	[tilespmem:s18+$0x2860] =	vst v1  }
0x46: {  	s31 =	simm.s32 $0x0;
	[bflag:$0x0] =	sbarrier.arrive $0xFFFF  }
0x47: {  	[spmem:s2] =	stream.indirect.scatter.add.f32 [tilespmem:s13], [sflag:$0x1], $0x80, s31, s14, $0xb8;
	[tilespmem:$0x1A800] =	vst v63  }
0x48: {  	_ =	swait.ge [sflag:s12], $0x4000  }
0x49: {  	s18 =	simm.s32 $0x200;
	[sflag:s12] =	ssyncset.done $0x0  }
.LBB2_6:
0x4a: {  	s19 =	sshra.s32 s18, $0x2;
	[sflag:s12] =	ssyncadd.s32 $0xFFFFC000;
	p0 =	sne.s32 s18, $0x9E00  }
0x4b: {  	[spmem:s2] =	stream.indirect.scatter.add.f32 [tilespmem:s13], [sflag:$0x1], $0x80, s19, s14, $0xb8;
	[tilespmem:$0x1A800] =	vst v63  }
.Ltmp2:
0x4c: {  	_ = 	snop;
	(pc) =	sbr.rel @p0 .LBB2_6-.Ltmp2, $4  }
0x4d: {  	_ = 	snop  }
0x4e: {  	s18 =	sadd.s32 $0x200, s18  }
0x4f: {  	_ =	swait.ge [sflag:s12], $0x4000  }
0x50: {  	[sflag:s12] =	ssyncset.done $0x0  }
0x51: {  	s17 =	sadd.s32 $0x1, s17  }
0x52: {  	[sflag:s12] =	ssyncadd.s32 $0xFFFFC000;
	p0 =	sne.s32 s17, s11  }
.Ltmp3:
0x53: {  	[bflag:$0x0] =	sbarrier.arrive $0xFFFF;
	(pc) =	sbr.rel @p0 .LBB2_1-.Ltmp3, $4  }
0x54: {  	[hbm:s10], [sflag:s15] =	dma.local [spmem:s16], $0x2800  }
0x55: {  	_ =	swait.ge [sflag:s12], $0x2800  }
0x56: {  	[sflag:s12] =	ssyncset.done $0x0  }
0x57: {  	[sflag:s12] =	ssyncadd.s32 $0xFFFFD800  }
0x58: {  	_ =	sfence.sel $0x180000  }
0x59: {  	[bflag:$0x0] =	sbarrier.arrive $0xFFFF  }
0x5a: {  	p0 =	sne.s32 s0, $0x0;
	_ =	strace $0x90000047  }
0x5b: {  	s0 =	sadd.s32 @!p0 $0x100000, s1;
	[bflag:$0x2] =	sbarrier.arrive $0xFFFF  }
0x5c: {  	[sflag:s0] =	ssyncadd.tile.s32 @!p0 $0x1;
	_ =	shalt  }
.Lfunc_end2:
_tile_overlayer_lowered:
.L_overlay_start_2:
0x5d: {  	(tag) =	ssettag $0x2  }
0x5e: {  	s0 =	rddreg [dreg:$0x0];
	s2 =	stileid.u32  }
0x5f: {  	s1 =	rddreg [dreg:$0x1];
	p0 =	sne.s32 s2, $0x0  }
0x60: {  	s3 =	rddreg [dreg:$0x2];
	[bflag:$0x3] =	sbarrier.arrive $0xFFFF;
	s2 =	simm.s32 @!p0 $0x1C01  }
0x61: {  	[timem:s3], [sflag:s2] =	dma.local @!p0 [hbm:s0], s1  }
0x62: {  	s0 =	simm.s32 @!p0 $0x1  }
0x63: {  	_ =	swait.ge @!p0 [sflag:s0], s1  }
0x64: {  	s1 =	ssub.s32 @!p0 $0x0, s1;
	[sflag:s0] =	ssyncset.done @!p0 $0x0  }
0x65: {  	[sflag:s0] =	ssyncadd.s32 @!p0 s1  }
0x66: {  	[bflag:$0x3] =	sbarrier.arrive $0xFFFF  }
0x67: {  	_ =	shalt  }

</sc_bundles>
